<compile_context>
chip_gen: v7x
topology: tpu7x:2x2x1
jax: 0.10.2.dev20260603
libtpu: 0.0.44.dev20260713+nightly
codegen_flags: <defaults>
</compile_context>

<pallas_src>
import functools

import jax
import jax.numpy as jnp
from jax import lax
from jax.experimental import pallas as pl
from jax.experimental.pallas import tpu as pltpu
from jax.experimental.pallas import tpu_sc as plsc

N = 10000
E = 320000
D = 128
EPS = 1e-5

NC = 2
NS = 16
NP = 10240
EP = 327680
EPW = EP // (NC * NS)
CH = 128
NCHUNK = EPW // CH
RPT = NP // NS

_mesh = plsc.VectorSubcoreMesh(core_axis_name="c", subcore_axis_name="s")


def _bn(x, gamma, beta):
    mu = jnp.mean(x, axis=0)
    var = jnp.mean((x - mu) ** 2, axis=0)
    return (x - mu) * lax.rsqrt(var + EPS) * gamma + beta



@functools.partial(
    pl.kernel,
    out_type=jax.ShapeDtypeStruct((NC, NP, 16), jnp.float32),
    mesh=_mesh,
    scratch_types=[
        pltpu.VMEM((CH,), jnp.int32),
        pltpu.VMEM((CH, 16), jnp.float32),
        pltpu.VMEM_SHARED((NP, 16), jnp.float32),
    ],
)
def _deg_kernel(dst_hbm, zeros_hbm, out_hbm, dst_v, ones_v, cnt_sh):
    cid = lax.axis_index("c")
    sid = lax.axis_index("s")

    def fill(i, c):
        ones_v[i] = jnp.ones((16,), jnp.float32)
        return c

    lax.fori_loop(0, CH, fill, 0)

    r0 = sid * RPT
    pltpu.sync_copy(zeros_hbm.at[pl.ds(r0, RPT), :], cnt_sh.at[pl.ds(r0, RPT), :])
    plsc.subcore_barrier()

    base = (cid * NS + sid) * EPW

    def chunk(j, c):
        off = base + j * CH
        pltpu.sync_copy(dst_hbm.at[pl.ds(off, CH)], dst_v)
        pltpu.sync_copy(ones_v, cnt_sh.at[dst_v], add=True)
        return c

    lax.fori_loop(0, NCHUNK, chunk, 0)
    plsc.subcore_barrier()
    pltpu.sync_copy(cnt_sh.at[pl.ds(r0, RPT), :], out_hbm.at[cid, pl.ds(r0, RPT), :])


@functools.partial(
    pl.kernel,
    out_type=jax.ShapeDtypeStruct((NC, NP, D), jnp.float32),
    mesh=_mesh,
    scratch_types=[
        pltpu.VMEM((CH,), jnp.int32),
        pltpu.VMEM((CH,), jnp.int32),
        pltpu.VMEM((CH, D), jnp.float32),
        pltpu.VMEM_SHARED((NP, D), jnp.float32),
        pltpu.SemaphoreType.DMA,
    ],
)
def _edge_kernel(g_hbm, src_hbm, dst_hbm, zeros_hbm, out_hbm,
                 src_v, dst_v, rows_v, agg_sh, sem):
    cid = lax.axis_index("c")
    sid = lax.axis_index("s")

    r0 = sid * RPT
    pltpu.sync_copy(zeros_hbm.at[pl.ds(r0, RPT), :], agg_sh.at[pl.ds(r0, RPT), :])
    plsc.subcore_barrier()

    base = (cid * NS + sid) * EPW

    def chunk(j, c):
        off = base + j * CH
        pltpu.sync_copy(src_hbm.at[pl.ds(off, CH)], src_v)
        pltpu.sync_copy(dst_hbm.at[pl.ds(off, CH)], dst_v)
        pltpu.async_copy(g_hbm.at[src_v], rows_v, sem).wait()
        pltpu.sync_copy(rows_v, agg_sh.at[dst_v], add=True)
        return c

    lax.fori_loop(0, NCHUNK, chunk, 0)
    plsc.subcore_barrier()
    pltpu.sync_copy(agg_sh.at[pl.ds(r0, RPT), :], out_hbm.at[cid, pl.ds(r0, RPT), :])



def _pre_body(s0, s1, Wpre, bpre, gpre, bepre, Wg, cnt, ga_o, gb_o, dinv_o):
    deg = jnp.sum(cnt[0, :N, :] + cnt[1, :N, :], axis=1) + 1.0
    dinv = lax.rsqrt(deg)[:, None]
    dinv_o[...] = dinv

    n0 = _bn(jnp.dot(s0[...], Wpre[0], preferred_element_type=jnp.float32) + bpre[0],
             gpre[0], bepre[0])
    ga_o[:N, :] = jnp.dot(jax.nn.relu(n0), Wg[0], preferred_element_type=jnp.float32) * dinv
    ga_o[N:, :] = jnp.zeros((NP - N, D), jnp.float32)

    n1 = _bn(jnp.dot(s1[...], Wpre[1], preferred_element_type=jnp.float32) + bpre[1],
             gpre[1], bepre[1])
    gb_o[:N, :] = jnp.dot(jax.nn.relu(n1), Wg[1], preferred_element_type=jnp.float32) * dinv
    gb_o[N:, :] = jnp.zeros((NP - N, D), jnp.float32)


def _mid_body(pa, pb, ga, gb, dinv, bg, gg, beg, Wg, x2_o, g2_o):
    dv = dinv[...]
    tu = _bn(dv * (pa[0, :N, :] + pa[1, :N, :] + ga[:N, :]) + bg[0], gg[0], beg[0])
    tv = _bn(dv * (pb[0, :N, :] + pb[1, :N, :] + gb[:N, :]) + bg[1], gg[1], beg[1])
    x2 = tu + tv
    x2_o[...] = x2
    g2_o[:N, :] = jnp.dot(jax.nn.relu(x2), Wg[2], preferred_element_type=jnp.float32) * dv
    g2_o[N:, :] = jnp.zeros((NP - N, D), jnp.float32)


def _post_body(p2, g2, x2, dinv, bg, gg, beg, out_o):
    x3 = _bn(dinv[...] * (p2[0, :N, :] + p2[1, :N, :] + g2[:N, :]) + bg[2],
             gg[2], beg[2])
    out_o[:, :D] = x2[...]
    out_o[:, D:] = x3


_f32 = jnp.float32

_tc_params = pltpu.CompilerParams(vmem_limit_bytes=100 * 1024 * 1024)

_pre_call = pl.pallas_call(
    _pre_body,
    compiler_params=_tc_params,
    out_shape=(
        jax.ShapeDtypeStruct((NP, D), _f32),
        jax.ShapeDtypeStruct((NP, D), _f32),
        jax.ShapeDtypeStruct((N, 1), _f32),
    ),
)

_mid_call = pl.pallas_call(
    _mid_body,
    compiler_params=_tc_params,
    out_shape=(
        jax.ShapeDtypeStruct((N, D), _f32),
        jax.ShapeDtypeStruct((NP, D), _f32),
    ),
)

_post_call = pl.pallas_call(
    _post_body,
    compiler_params=_tc_params,
    out_shape=jax.ShapeDtypeStruct((N, 2 * D), _f32),
)


def kernel(s0, s1, Wpre, bpre, gpre, bepre, Wg, bg, gg, beg, edge_index,
           in_degree, out_degree, mat):
    pad = N + jnp.arange(EP - E, dtype=jnp.int32) % (NP - N)
    src = jnp.concatenate([edge_index[0], pad])
    dst = jnp.concatenate([edge_index[1], pad])
    zeros16 = jnp.zeros((NP, 16), _f32)
    zerosD = jnp.zeros((NP, D), _f32)

    cnt = _deg_kernel(dst, zeros16)
    ga, gb, dinv = _pre_call(s0, s1, Wpre, bpre, gpre, bepre, Wg, cnt)
    pa = _edge_kernel(ga, src, dst, zerosD)
    pb = _edge_kernel(gb, src, dst, zerosD)
    x2, g2 = _mid_call(pa, pb, ga, gb, dinv, bg, gg, beg, Wg)
    p2 = _edge_kernel(g2, src, dst, zerosD)
    return _post_call(p2, g2, x2, dinv, bg, gg, beg)

# --- scband reference (transcript-rebuilt; emitter-appended) ---
"""Pipeline reference for scband-cell-41910290874471 (READ-ONLY COPY).

The authoritative reference and input builder live on the scoring server;
editing this copy changes nothing except your own understanding.
"""

import jax, jax.numpy as jnp
import numpy as np

N = 10000
E = 320000
D = 128
EPS = 1e-5

def batchnorm(x, gamma, beta):
    mu = jnp.mean(x, axis=0)
    var = jnp.var(x, axis=0)
    return (x - mu) / jnp.sqrt(var + EPS) * gamma + beta

def gcn_conv(x, W, b, src, dst, n):
    # torch_geometric GCNConv: add self loops, symmetric deg normalization, linear, scatter-add
    h = x @ W
    loop = jnp.arange(n, dtype=src.dtype)
    s = jnp.concatenate([src, loop])
    d = jnp.concatenate([dst, loop])
    deg = jnp.zeros((n,), x.dtype).at[d].add(1.0)
    dinv = jnp.where(deg > 0, deg ** -0.5, 0.0)
    norm = dinv[s] * dinv[d]
    msgs = h[s] * norm[:, None]
    return jnp.zeros_like(h).at[d].add(msgs) + b

def graph_op(x, edge_index, W, b, gamma, beta):
    # graph_function.forward: norm(gcn(relu(x), edge_index)) with BN in training mode (batch stats)
    h = jax.nn.relu(x)
    h = gcn_conv(h, W, b, edge_index[0], edge_index[1], x.shape[0])
    return batchnorm(h, gamma, beta)

def setup_inputs(seed: int = 0):
    key = jax.random.key(seed)
    ks = jax.random.split(key, 16)
    sc = 1.0 / np.sqrt(D)
    return {
        "s0": jax.random.normal(ks[0], (N, D), jnp.float32),
        "s1": jax.random.normal(ks[1], (N, D), jnp.float32),
        "Wpre": jax.random.normal(ks[2], (2, D, D), jnp.float32) * sc,
        "bpre": jnp.zeros((2, D), jnp.float32),
        "gpre": jnp.ones((2, D), jnp.float32),
        "bepre": jnp.zeros((2, D), jnp.float32),
        "Wg": jax.random.normal(ks[3], (3, D, D), jnp.float32) * sc,
        "bg": jnp.zeros((3, D), jnp.float32),
        "gg": jnp.ones((3, D), jnp.float32),
        "beg": jnp.zeros((3, D), jnp.float32),
        "edge_index": jax.random.randint(ks[4], (2, E), 0, N, dtype=jnp.int32),
        "in_degree": jax.random.randint(ks[5], (N,), 0, 64, dtype=jnp.int32),
        "out_degree": jax.random.randint(ks[6], (N,), 0, 64, dtype=jnp.int32),
        "mat": jnp.zeros((N,), jnp.float32),
    }

def reference(s0, s1, Wpre, bpre, gpre, bepre, Wg, bg, gg, beg, edge_index, in_degree, out_degree, mat):
    # Cell.forward with c_op=['GCN','GCN','GCN'], row=[0,1,2], col=[2,2,3], mid_node=2, dropout=0.
    # in_degree/out_degree/mat are unused on the pure-GNN path (no pe_Transformer op).
    n0 = batchnorm(s0 @ Wpre[0] + bpre[0], gpre[0], bepre[0])  # preprocess0
    n1 = batchnorm(s1 @ Wpre[1] + bpre[1], gpre[1], bepre[1])  # preprocess1
    # mid node 2 receives ops from node 0 and node 1 (summed)
    x2 = graph_op(n0, edge_index, Wg[0], bg[0], gg[0], beg[0]) + graph_op(n1, edge_index, Wg[1], bg[1], gg[1], beg[1])
    # mid node 3 receives op from node 2
    x3 = graph_op(x2, edge_index, Wg[2], bg[2], gg[2], beg[2])
    return jnp.concatenate([x2, x3], axis=1)

if __name__ == "__main__":
    import jax
    _d = setup_inputs()
    print(jax.jit(kernel)(*tuple(_d.values())))

</pallas_src>

<mosaic_0001>
#map = affine_map<(d0, d1) -> (0)>
#map1 = affine_map<(d0, d1) -> (0, 0)>
#map2 = affine_map<(d0, d1) -> (0, 0, 0)>
module attributes {stable_mosaic.version = 14 : i64} {
  func.func @_deg_kernel(%arg0: i32, %arg1: i32, %arg2: memref<327680xi32, #tpu.memory_space<hbm>>, %arg3: memref<10240x16xf32, #tpu.memory_space<hbm>>, %arg4: memref<2x10240x16xf32, #tpu.memory_space<hbm>>, %arg5: memref<128xi32, #tpu.memory_space<vmem>>, %arg6: memref<128x16xf32, #tpu.memory_space<vmem>>, %arg7: memref<10240x16xf32, #tpu.memory_space<vmem_shared>>) attributes {dimension_semantics = [#tpu.dimension_semantics<core_parallel>, #tpu.dimension_semantics<subcore_parallel>], iteration_bounds = array<i64: 2, 16>, scalar_prefetch = 0 : i64, scratch_operands = 3 : i64, tpu.core_type = #tpu.core_type<sc_vector_subcore>, window_params = [{transform_indices = #map}, {transform_indices = #map1}, {transform_indices = #map2}]} {
    %scan3A = arith.constant 0 : i32
    %scan3A_0 = arith.constant 0 : i32
    %scan3A_1 = arith.constant 128 : i32
    %scan3A_2 = arith.addi %scan3A_0, %scan3A_1 : i32
    %scan3A_3 = arith.constant 1 : i32
    scf.for %scan3A_17 = %scan3A_0 to %scan3A_2 step %scan3A_3  : i32 {
      %broadcast_in_dim3A = arith.constant 1.000000e+00 : f32
      %broadcast_in_dim3A_18 = vector.broadcast %broadcast_in_dim3A : f32 to vector<16xf32>
      %swap3A = arith.index_cast %scan3A_17 : i32 to index
      %swap3A_19 = arith.constant 0 : index
      %swap3A_20 = tpu.vector_load %arg6[%swap3A, %swap3A_19] {strides = array<i32>} : memref<128x16xf32, #tpu.memory_space<vmem>>, vector<1x16xf32>,
      %swap3A_21 = vector.shape_cast %swap3A_20 : vector<1x16xf32> to vector<16xf32>
      %swap3A_22 = vector.shape_cast %broadcast_in_dim3A_18 : vector<16xf32> to vector<1x16xf32>
      tpu.vector_store %arg6[%swap3A, %swap3A_19], %swap3A_22 {strides = array<i32>} : memref<128x16xf32, #tpu.memory_space<vmem>>, vector<1x16xf32>,
    }
    %scan3A_4 = arith.constant 128 : i32
    %mul3A = arith.constant 640 : i32
    %mul3A_5 = arith.muli %arg1, %mul3A : i32
    "tpu.region"() ({
      %run_scoped3A = tpu.sem_alloc : memref<!tpu.dma_semaphore, #tpu.memory_space<semaphore_mem>>
      %dma_start3A = arith.constant 0 : i32
      %dma_start3A_17 = tpu.memref_slice %arg7[%mul3A_5, %dma_start3A] : memref<10240x16xf32, #tpu.memory_space<vmem_shared>> -> memref<640x16xf32, #tpu.memory_space<vmem_shared>>
      %dma_start3A_18 = arith.constant 0 : i32
      %dma_start3A_19 = tpu.memref_slice %arg3[%mul3A_5, %dma_start3A_18] : memref<10240x16xf32, #tpu.memory_space<hbm>> -> memref<640x16xf32, #tpu.memory_space<hbm>>
      tpu.enqueue_dma source(%dma_start3A_19 : memref<640x16xf32, #tpu.memory_space<hbm>>) target(%dma_start3A_17 : memref<640x16xf32, #tpu.memory_space<vmem_shared>>) target_semaphore(%run_scoped3A : memref<!tpu.dma_semaphore, #tpu.memory_space<semaphore_mem>>)
      %dma_wait3A = arith.constant 0 : i32
      %dma_wait3A_20 = tpu.memref_slice %arg7[%mul3A_5, %dma_wait3A] : memref<10240x16xf32, #tpu.memory_space<vmem_shared>> -> memref<640x16xf32, #tpu.memory_space<vmem_shared>>
      %dma_wait3A_21 = arith.constant 0 : i32
      %dma_wait3A_22 = tpu.memref_slice %arg3[%mul3A_5, %dma_wait3A_21] : memref<10240x16xf32, #tpu.memory_space<hbm>> -> memref<640x16xf32, #tpu.memory_space<hbm>>
      tpu.wait_dma2 semaphore(%run_scoped3A : memref<!tpu.dma_semaphore, #tpu.memory_space<semaphore_mem>>) src(%dma_wait3A_22 : memref<640x16xf32, #tpu.memory_space<hbm>>) dst(%dma_wait3A_20 : memref<640x16xf32, #tpu.memory_space<vmem_shared>>)
      tpu.yield
    }) : () -> ()
    %barrier3A = arith.constant 0 : index
    tpu.barrier barrier_id(%barrier3A)
    %mul3A_6 = arith.constant 16 : i32
    %mul3A_7 = arith.muli %arg0, %mul3A_6 : i32
    %add3A = arith.addi %mul3A_7, %arg1 : i32
    %mul3A_8 = arith.constant 10240 : i32
    %mul3A_9 = arith.muli %add3A, %mul3A_8 : i32
    %scan3A_10 = arith.constant 0 : i32
    %scan3A_11 = arith.constant 0 : i32
    %scan3A_12 = arith.constant 80 : i32
    %scan3A_13 = arith.addi %scan3A_11, %scan3A_12 : i32
    %scan3A_14 = arith.constant 1 : i32
    scf.for %scan3A_17 = %scan3A_11 to %scan3A_13 step %scan3A_14  : i32 {
      %mul3A_18 = arith.constant 128 : i32
      %mul3A_19 = arith.muli %scan3A_17, %mul3A_18 : i32
      %add3A_20 = arith.addi %mul3A_9, %mul3A_19 : i32
      "tpu.region"() ({
        %run_scoped3A = tpu.sem_alloc : memref<!tpu.dma_semaphore, #tpu.memory_space<semaphore_mem>>
        %dma_start3A = tpu.memref_slice %arg2[%add3A_20] : memref<327680xi32, #tpu.memory_space<hbm>> -> memref<128xi32, #tpu.memory_space<hbm>>
        %dma_start3A_21 = tpu.memref_slice %arg2[%add3A_20] : memref<327680xi32, #tpu.memory_space<hbm>> -> memref<128xi32, #tpu.memory_space<hbm>>
        tpu.enqueue_dma source(%dma_start3A_21 : memref<128xi32, #tpu.memory_space<hbm>>) target(%arg5 : memref<128xi32, #tpu.memory_space<vmem>>) target_semaphore(%run_scoped3A : memref<!tpu.dma_semaphore, #tpu.memory_space<semaphore_mem>>)
        %dma_wait3A = tpu.memref_slice %arg2[%add3A_20] : memref<327680xi32, #tpu.memory_space<hbm>> -> memref<128xi32, #tpu.memory_space<hbm>>
        %dma_wait3A_22 = tpu.memref_slice %arg2[%add3A_20] : memref<327680xi32, #tpu.memory_space<hbm>> -> memref<128xi32, #tpu.memory_space<hbm>>
        tpu.wait_dma2 semaphore(%run_scoped3A : memref<!tpu.dma_semaphore, #tpu.memory_space<semaphore_mem>>) src(%dma_wait3A_22 : memref<128xi32, #tpu.memory_space<hbm>>) dst(%arg5 : memref<128xi32, #tpu.memory_space<vmem>>)
        tpu.yield
      }) : () -> ()
      "tpu.region"() ({
        %run_scoped3A = tpu.sem_alloc : memref<!tpu.dma_semaphore, #tpu.memory_space<semaphore_mem>>
        %dma_start3A = arith.constant 0 : i32
        %dma_start3A_21 = arith.constant 0 : i32
        %dma_start3A_22 = tpu.memref_slice %arg7[%dma_start3A, %dma_start3A_21] : memref<10240x16xf32, #tpu.memory_space<vmem_shared>> -> memref<10240x16xf32, #tpu.memory_space<vmem_shared>>
        tpu.enqueue_indirect_dma source(%arg6 : memref<128x16xf32, #tpu.memory_space<vmem>>) target(%dma_start3A_22 : memref<10240x16xf32, #tpu.memory_space<vmem_shared>>) offsets(%arg5 : memref<128xi32, #tpu.memory_space<vmem>>) semaphore(%run_scoped3A : memref<!tpu.dma_semaphore, #tpu.memory_space<semaphore_mem>>) {add = true}
        %dma_wait3A = arith.constant 0 : i32
        %dma_wait3A_23 = arith.constant 0 : i32
        %dma_wait3A_24 = tpu.memref_slice %arg7[%dma_wait3A, %dma_wait3A_23] : memref<10240x16xf32, #tpu.memory_space<vmem_shared>> -> memref<10240x16xf32, #tpu.memory_space<vmem_shared>>
        tpu.wait_indirect_dma semaphore(%run_scoped3A : memref<!tpu.dma_semaphore, #tpu.memory_space<semaphore_mem>>) src(%arg6 : memref<128x16xf32, #tpu.memory_space<vmem>>) dst(%dma_wait3A_24 : memref<10240x16xf32, #tpu.memory_space<vmem_shared>>)
        tpu.yield
      }) : () -> ()
    }
    %scan3A_15 = arith.constant 80 : i32
    %barrier3A_16 = arith.constant 0 : index
    tpu.barrier barrier_id(%barrier3A_16)
    "tpu.region"() ({
      %run_scoped3A = tpu.sem_alloc : memref<!tpu.dma_semaphore, #tpu.memory_space<semaphore_mem>>
      %dma_start3A = arith.constant 0 : i32
      %dma_start3A_17 = tpu.memref_slice %arg4[%arg0, %mul3A_5, %dma_start3A] : memref<2x10240x16xf32, #tpu.memory_space<hbm>> -> memref<1x640x16xf32, #tpu.memory_space<hbm>>
      %dma_start3A_18 = tpu.memref_squeeze %dma_start3A_17 : memref<1x640x16xf32, #tpu.memory_space<hbm>> -> memref<640x16xf32, #tpu.memory_space<hbm>>
      %dma_start3A_19 = arith.constant 0 : i32
      %dma_start3A_20 = tpu.memref_slice %arg7[%mul3A_5, %dma_start3A_19] : memref<10240x16xf32, #tpu.memory_space<vmem_shared>> -> memref<640x16xf32, #tpu.memory_space<vmem_shared>>
      tpu.enqueue_dma source(%dma_start3A_20 : memref<640x16xf32, #tpu.memory_space<vmem_shared>>) target(%dma_start3A_18 : memref<640x16xf32, #tpu.memory_space<hbm>>) target_semaphore(%run_scoped3A : memref<!tpu.dma_semaphore, #tpu.memory_space<semaphore_mem>>)
      %dma_wait3A = arith.constant 0 : i32
      %dma_wait3A_21 = tpu.memref_slice %arg4[%arg0, %mul3A_5, %dma_wait3A] : memref<2x10240x16xf32, #tpu.memory_space<hbm>> -> memref<1x640x16xf32, #tpu.memory_space<hbm>>
      %dma_wait3A_22 = tpu.memref_squeeze %dma_wait3A_21 : memref<1x640x16xf32, #tpu.memory_space<hbm>> -> memref<640x16xf32, #tpu.memory_space<hbm>>
      %dma_wait3A_23 = arith.constant 0 : i32
      %dma_wait3A_24 = tpu.memref_slice %arg7[%mul3A_5, %dma_wait3A_23] : memref<10240x16xf32, #tpu.memory_space<vmem_shared>> -> memref<640x16xf32, #tpu.memory_space<vmem_shared>>
      tpu.wait_dma2 semaphore(%run_scoped3A : memref<!tpu.dma_semaphore, #tpu.memory_space<semaphore_mem>>) src(%dma_wait3A_24 : memref<640x16xf32, #tpu.memory_space<vmem_shared>>) dst(%dma_wait3A_22 : memref<640x16xf32, #tpu.memory_space<hbm>>)
      tpu.yield
    }) : () -> ()
    return
  }
}

#map = affine_map<(d0, d1) -> (0, 0)>
#map1 = affine_map<(d0, d1) -> (0)>
#map2 = affine_map<(d0, d1) -> (0, 0, 0)>
module attributes {stable_mosaic.version = 14 : i64} {
  func.func @_edge_kernel(%arg0: i32, %arg1: i32, %arg2: memref<10240x128xf32, #tpu.memory_space<hbm>>, %arg3: memref<327680xi32, #tpu.memory_space<hbm>>, %arg4: memref<327680xi32, #tpu.memory_space<hbm>>, %arg5: memref<10240x128xf32, #tpu.memory_space<hbm>>, %arg6: memref<2x10240x128xf32, #tpu.memory_space<hbm>>, %arg7: memref<128xi32, #tpu.memory_space<vmem>>, %arg8: memref<128xi32, #tpu.memory_space<vmem>>, %arg9: memref<128x128xf32, #tpu.memory_space<vmem>>, %arg10: memref<10240x128xf32, #tpu.memory_space<vmem_shared>>, %arg11: memref<!tpu.dma_semaphore, #tpu.memory_space<semaphore_mem>>) attributes {dimension_semantics = [#tpu.dimension_semantics<core_parallel>, #tpu.dimension_semantics<subcore_parallel>], iteration_bounds = array<i64: 2, 16>, scalar_prefetch = 0 : i64, scratch_operands = 5 : i64, tpu.core_type = #tpu.core_type<sc_vector_subcore>, window_params = [{transform_indices = #map}, {transform_indices = #map1}, {transform_indices = #map1}, {transform_indices = #map}, {transform_indices = #map2}]} {
    %mul3A = arith.constant 640 : i32
    %mul3A_0 = arith.muli %arg1, %mul3A : i32
    "tpu.region"() ({
      %run_scoped3A = tpu.sem_alloc : memref<!tpu.dma_semaphore, #tpu.memory_space<semaphore_mem>>
      %dma_start3A = arith.constant 0 : i32
      %dma_start3A_11 = tpu.memref_slice %arg10[%mul3A_0, %dma_start3A] : memref<10240x128xf32, #tpu.memory_space<vmem_shared>> -> memref<640x128xf32, #tpu.memory_space<vmem_shared>>
      %dma_start3A_12 = arith.constant 0 : i32
      %dma_start3A_13 = tpu.memref_slice %arg5[%mul3A_0, %dma_start3A_12] : memref<10240x128xf32, #tpu.memory_space<hbm>> -> memref<640x128xf32, #tpu.memory_space<hbm>>
      tpu.enqueue_dma source(%dma_start3A_13 : memref<640x128xf32, #tpu.memory_space<hbm>>) target(%dma_start3A_11 : memref<640x128xf32, #tpu.memory_space<vmem_shared>>) target_semaphore(%run_scoped3A : memref<!tpu.dma_semaphore, #tpu.memory_space<semaphore_mem>>)
      %dma_wait3A = arith.constant 0 : i32
      %dma_wait3A_14 = tpu.memref_slice %arg10[%mul3A_0, %dma_wait3A] : memref<10240x128xf32, #tpu.memory_space<vmem_shared>> -> memref<640x128xf32, #tpu.memory_space<vmem_shared>>
      %dma_wait3A_15 = arith.constant 0 : i32
      %dma_wait3A_16 = tpu.memref_slice %arg5[%mul3A_0, %dma_wait3A_15] : memref<10240x128xf32, #tpu.memory_space<hbm>> -> memref<640x128xf32, #tpu.memory_space<hbm>>
      tpu.wait_dma2 semaphore(%run_scoped3A : memref<!tpu.dma_semaphore, #tpu.memory_space<semaphore_mem>>) src(%dma_wait3A_16 : memref<640x128xf32, #tpu.memory_space<hbm>>) dst(%dma_wait3A_14 : memref<640x128xf32, #tpu.memory_space<vmem_shared>>)
      tpu.yield
    }) : () -> ()
    %barrier3A = arith.constant 0 : index
    tpu.barrier barrier_id(%barrier3A)
    %mul3A_1 = arith.constant 16 : i32
    %mul3A_2 = arith.muli %arg0, %mul3A_1 : i32
    %add3A = arith.addi %mul3A_2, %arg1 : i32
    %mul3A_3 = arith.constant 10240 : i32
    %mul3A_4 = arith.muli %add3A, %mul3A_3 : i32
    %scan3A = arith.constant 0 : i32
    %scan3A_5 = arith.constant 0 : i32
    %scan3A_6 = arith.constant 80 : i32
    %scan3A_7 = arith.addi %scan3A_5, %scan3A_6 : i32
    %scan3A_8 = arith.constant 1 : i32
    scf.for %scan3A_11 = %scan3A_5 to %scan3A_7 step %scan3A_8  : i32 {
      %mul3A_12 = arith.constant 128 : i32
      %mul3A_13 = arith.muli %scan3A_11, %mul3A_12 : i32
      %add3A_14 = arith.addi %mul3A_4, %mul3A_13 : i32
      "tpu.region"() ({
        %run_scoped3A = tpu.sem_alloc : memref<!tpu.dma_semaphore, #tpu.memory_space<semaphore_mem>>
        %dma_start3A_19 = tpu.memref_slice %arg3[%add3A_14] : memref<327680xi32, #tpu.memory_space<hbm>> -> memref<128xi32, #tpu.memory_space<hbm>>
        %dma_start3A_20 = tpu.memref_slice %arg3[%add3A_14] : memref<327680xi32, #tpu.memory_space<hbm>> -> memref<128xi32, #tpu.memory_space<hbm>>
        tpu.enqueue_dma source(%dma_start3A_20 : memref<128xi32, #tpu.memory_space<hbm>>) target(%arg7 : memref<128xi32, #tpu.memory_space<vmem>>) target_semaphore(%run_scoped3A : memref<!tpu.dma_semaphore, #tpu.memory_space<semaphore_mem>>)
        %dma_wait3A_21 = tpu.memref_slice %arg3[%add3A_14] : memref<327680xi32, #tpu.memory_space<hbm>> -> memref<128xi32, #tpu.memory_space<hbm>>
        %dma_wait3A_22 = tpu.memref_slice %arg3[%add3A_14] : memref<327680xi32, #tpu.memory_space<hbm>> -> memref<128xi32, #tpu.memory_space<hbm>>
        tpu.wait_dma2 semaphore(%run_scoped3A : memref<!tpu.dma_semaphore, #tpu.memory_space<semaphore_mem>>) src(%dma_wait3A_22 : memref<128xi32, #tpu.memory_space<hbm>>) dst(%arg7 : memref<128xi32, #tpu.memory_space<vmem>>)
        tpu.yield
      }) : () -> ()
      "tpu.region"() ({
        %run_scoped3A = tpu.sem_alloc : memref<!tpu.dma_semaphore, #tpu.memory_space<semaphore_mem>>
        %dma_start3A_19 = tpu.memref_slice %arg4[%add3A_14] : memref<327680xi32, #tpu.memory_space<hbm>> -> memref<128xi32, #tpu.memory_space<hbm>>
        %dma_start3A_20 = tpu.memref_slice %arg4[%add3A_14] : memref<327680xi32, #tpu.memory_space<hbm>> -> memref<128xi32, #tpu.memory_space<hbm>>
        tpu.enqueue_dma source(%dma_start3A_20 : memref<128xi32, #tpu.memory_space<hbm>>) target(%arg8 : memref<128xi32, #tpu.memory_space<vmem>>) target_semaphore(%run_scoped3A : memref<!tpu.dma_semaphore, #tpu.memory_space<semaphore_mem>>)
        %dma_wait3A_21 = tpu.memref_slice %arg4[%add3A_14] : memref<327680xi32, #tpu.memory_space<hbm>> -> memref<128xi32, #tpu.memory_space<hbm>>
        %dma_wait3A_22 = tpu.memref_slice %arg4[%add3A_14] : memref<327680xi32, #tpu.memory_space<hbm>> -> memref<128xi32, #tpu.memory_space<hbm>>
        tpu.wait_dma2 semaphore(%run_scoped3A : memref<!tpu.dma_semaphore, #tpu.memory_space<semaphore_mem>>) src(%dma_wait3A_22 : memref<128xi32, #tpu.memory_space<hbm>>) dst(%arg8 : memref<128xi32, #tpu.memory_space<vmem>>)
        tpu.yield
      }) : () -> ()
      %dma_start3A = arith.constant 0 : i32
      %dma_start3A_15 = arith.constant 0 : i32
      %dma_start3A_16 = tpu.memref_slice %arg2[%dma_start3A, %dma_start3A_15] : memref<10240x128xf32, #tpu.memory_space<hbm>> -> memref<10240x128xf32, #tpu.memory_space<hbm>>
      tpu.enqueue_indirect_dma source(%dma_start3A_16 : memref<10240x128xf32, #tpu.memory_space<hbm>>) target(%arg9 : memref<128x128xf32, #tpu.memory_space<vmem>>) offsets(%arg7 : memref<128xi32, #tpu.memory_space<vmem>>) semaphore(%arg11 : memref<!tpu.dma_semaphore, #tpu.memory_space<semaphore_mem>>)
      %dma_wait3A = arith.constant 0 : i32
      %dma_wait3A_17 = arith.constant 0 : i32
      %dma_wait3A_18 = tpu.memref_slice %arg2[%dma_wait3A, %dma_wait3A_17] : memref<10240x128xf32, #tpu.memory_space<hbm>> -> memref<10240x128xf32, #tpu.memory_space<hbm>>
      tpu.wait_indirect_dma semaphore(%arg11 : memref<!tpu.dma_semaphore, #tpu.memory_space<semaphore_mem>>) src(%dma_wait3A_18 : memref<10240x128xf32, #tpu.memory_space<hbm>>) dst(%arg9 : memref<128x128xf32, #tpu.memory_space<vmem>>)
      "tpu.region"() ({
        %run_scoped3A = tpu.sem_alloc : memref<!tpu.dma_semaphore, #tpu.memory_space<semaphore_mem>>
        %dma_start3A_19 = arith.constant 0 : i32
        %dma_start3A_20 = arith.constant 0 : i32
        %dma_start3A_21 = tpu.memref_slice %arg10[%dma_start3A_19, %dma_start3A_20] : memref<10240x128xf32, #tpu.memory_space<vmem_shared>> -> memref<10240x128xf32, #tpu.memory_space<vmem_shared>>
        tpu.enqueue_indirect_dma source(%arg9 : memref<128x128xf32, #tpu.memory_space<vmem>>) target(%dma_start3A_21 : memref<10240x128xf32, #tpu.memory_space<vmem_shared>>) offsets(%arg8 : memref<128xi32, #tpu.memory_space<vmem>>) semaphore(%run_scoped3A : memref<!tpu.dma_semaphore, #tpu.memory_space<semaphore_mem>>) {add = true}
        %dma_wait3A_22 = arith.constant 0 : i32
        %dma_wait3A_23 = arith.constant 0 : i32
        %dma_wait3A_24 = tpu.memref_slice %arg10[%dma_wait3A_22, %dma_wait3A_23] : memref<10240x128xf32, #tpu.memory_space<vmem_shared>> -> memref<10240x128xf32, #tpu.memory_space<vmem_shared>>
        tpu.wait_indirect_dma semaphore(%run_scoped3A : memref<!tpu.dma_semaphore, #tpu.memory_space<semaphore_mem>>) src(%arg9 : memref<128x128xf32, #tpu.memory_space<vmem>>) dst(%dma_wait3A_24 : memref<10240x128xf32, #tpu.memory_space<vmem_shared>>)
        tpu.yield
      }) : () -> ()
    }
    %scan3A_9 = arith.constant 80 : i32
    %barrier3A_10 = arith.constant 0 : index
    tpu.barrier barrier_id(%barrier3A_10)
    "tpu.region"() ({
      %run_scoped3A = tpu.sem_alloc : memref<!tpu.dma_semaphore, #tpu.memory_space<semaphore_mem>>
      %dma_start3A = arith.constant 0 : i32
      %dma_start3A_11 = tpu.memref_slice %arg6[%arg0, %mul3A_0, %dma_start3A] : memref<2x10240x128xf32, #tpu.memory_space<hbm>> -> memref<1x640x128xf32, #tpu.memory_space<hbm>>
      %dma_start3A_12 = tpu.memref_squeeze %dma_start3A_11 : memref<1x640x128xf32, #tpu.memory_space<hbm>> -> memref<640x128xf32, #tpu.memory_space<hbm>>
      %dma_start3A_13 = arith.constant 0 : i32
      %dma_start3A_14 = tpu.memref_slice %arg10[%mul3A_0, %dma_start3A_13] : memref<10240x128xf32, #tpu.memory_space<vmem_shared>> -> memref<640x128xf32, #tpu.memory_space<vmem_shared>>
      tpu.enqueue_dma source(%dma_start3A_14 : memref<640x128xf32, #tpu.memory_space<vmem_shared>>) target(%dma_start3A_12 : memref<640x128xf32, #tpu.memory_space<hbm>>) target_semaphore(%run_scoped3A : memref<!tpu.dma_semaphore, #tpu.memory_space<semaphore_mem>>)
      %dma_wait3A = arith.constant 0 : i32
      %dma_wait3A_15 = tpu.memref_slice %arg6[%arg0, %mul3A_0, %dma_wait3A] : memref<2x10240x128xf32, #tpu.memory_space<hbm>> -> memref<1x640x128xf32, #tpu.memory_space<hbm>>
      %dma_wait3A_16 = tpu.memref_squeeze %dma_wait3A_15 : memref<1x640x128xf32, #tpu.memory_space<hbm>> -> memref<640x128xf32, #tpu.memory_space<hbm>>
      %dma_wait3A_17 = arith.constant 0 : i32
      %dma_wait3A_18 = tpu.memref_slice %arg10[%mul3A_0, %dma_wait3A_17] : memref<10240x128xf32, #tpu.memory_space<vmem_shared>> -> memref<640x128xf32, #tpu.memory_space<vmem_shared>>
      tpu.wait_dma2 semaphore(%run_scoped3A : memref<!tpu.dma_semaphore, #tpu.memory_space<semaphore_mem>>) src(%dma_wait3A_18 : memref<640x128xf32, #tpu.memory_space<vmem_shared>>) dst(%dma_wait3A_16 : memref<640x128xf32, #tpu.memory_space<hbm>>)
      tpu.yield
    }) : () -> ()
    return
  }
}

#map = affine_map<(d0, d1) -> (0, 0)>
#map1 = affine_map<(d0, d1) -> (0)>
#map2 = affine_map<(d0, d1) -> (0, 0, 0)>
module attributes {stable_mosaic.version = 14 : i64} {
  func.func @_edge_kernel(%arg0: i32, %arg1: i32, %arg2: memref<10240x128xf32, #tpu.memory_space<hbm>>, %arg3: memref<327680xi32, #tpu.memory_space<hbm>>, %arg4: memref<327680xi32, #tpu.memory_space<hbm>>, %arg5: memref<10240x128xf32, #tpu.memory_space<hbm>>, %arg6: memref<2x10240x128xf32, #tpu.memory_space<hbm>>, %arg7: memref<128xi32, #tpu.memory_space<vmem>>, %arg8: memref<128xi32, #tpu.memory_space<vmem>>, %arg9: memref<128x128xf32, #tpu.memory_space<vmem>>, %arg10: memref<10240x128xf32, #tpu.memory_space<vmem_shared>>, %arg11: memref<!tpu.dma_semaphore, #tpu.memory_space<semaphore_mem>>) attributes {dimension_semantics = [#tpu.dimension_semantics<core_parallel>, #tpu.dimension_semantics<subcore_parallel>], iteration_bounds = array<i64: 2, 16>, scalar_prefetch = 0 : i64, scratch_operands = 5 : i64, tpu.core_type = #tpu.core_type<sc_vector_subcore>, window_params = [{transform_indices = #map}, {transform_indices = #map1}, {transform_indices = #map1}, {transform_indices = #map}, {transform_indices = #map2}]} {
    %mul3A = arith.constant 640 : i32
    %mul3A_0 = arith.muli %arg1, %mul3A : i32
    "tpu.region"() ({
      %run_scoped3A = tpu.sem_alloc : memref<!tpu.dma_semaphore, #tpu.memory_space<semaphore_mem>>
      %dma_start3A = arith.constant 0 : i32
      %dma_start3A_11 = tpu.memref_slice %arg10[%mul3A_0, %dma_start3A] : memref<10240x128xf32, #tpu.memory_space<vmem_shared>> -> memref<640x128xf32, #tpu.memory_space<vmem_shared>>
      %dma_start3A_12 = arith.constant 0 : i32
      %dma_start3A_13 = tpu.memref_slice %arg5[%mul3A_0, %dma_start3A_12] : memref<10240x128xf32, #tpu.memory_space<hbm>> -> memref<640x128xf32, #tpu.memory_space<hbm>>
      tpu.enqueue_dma source(%dma_start3A_13 : memref<640x128xf32, #tpu.memory_space<hbm>>) target(%dma_start3A_11 : memref<640x128xf32, #tpu.memory_space<vmem_shared>>) target_semaphore(%run_scoped3A : memref<!tpu.dma_semaphore, #tpu.memory_space<semaphore_mem>>)
      %dma_wait3A = arith.constant 0 : i32
      %dma_wait3A_14 = tpu.memref_slice %arg10[%mul3A_0, %dma_wait3A] : memref<10240x128xf32, #tpu.memory_space<vmem_shared>> -> memref<640x128xf32, #tpu.memory_space<vmem_shared>>
      %dma_wait3A_15 = arith.constant 0 : i32
      %dma_wait3A_16 = tpu.memref_slice %arg5[%mul3A_0, %dma_wait3A_15] : memref<10240x128xf32, #tpu.memory_space<hbm>> -> memref<640x128xf32, #tpu.memory_space<hbm>>
      tpu.wait_dma2 semaphore(%run_scoped3A : memref<!tpu.dma_semaphore, #tpu.memory_space<semaphore_mem>>) src(%dma_wait3A_16 : memref<640x128xf32, #tpu.memory_space<hbm>>) dst(%dma_wait3A_14 : memref<640x128xf32, #tpu.memory_space<vmem_shared>>)
      tpu.yield
    }) : () -> ()
    %barrier3A = arith.constant 0 : index
    tpu.barrier barrier_id(%barrier3A)
    %mul3A_1 = arith.constant 16 : i32
    %mul3A_2 = arith.muli %arg0, %mul3A_1 : i32
    %add3A = arith.addi %mul3A_2, %arg1 : i32
    %mul3A_3 = arith.constant 10240 : i32
    %mul3A_4 = arith.muli %add3A, %mul3A_3 : i32
    %scan3A = arith.constant 0 : i32
    %scan3A_5 = arith.constant 0 : i32
    %scan3A_6 = arith.constant 80 : i32
    %scan3A_7 = arith.addi %scan3A_5, %scan3A_6 : i32
    %scan3A_8 = arith.constant 1 : i32
    scf.for %scan3A_11 = %scan3A_5 to %scan3A_7 step %scan3A_8  : i32 {
      %mul3A_12 = arith.constant 128 : i32
      %mul3A_13 = arith.muli %scan3A_11, %mul3A_12 : i32
      %add3A_14 = arith.addi %mul3A_4, %mul3A_13 : i32
      "tpu.region"() ({
        %run_scoped3A = tpu.sem_alloc : memref<!tpu.dma_semaphore, #tpu.memory_space<semaphore_mem>>
        %dma_start3A_19 = tpu.memref_slice %arg3[%add3A_14] : memref<327680xi32, #tpu.memory_space<hbm>> -> memref<128xi32, #tpu.memory_space<hbm>>
        %dma_start3A_20 = tpu.memref_slice %arg3[%add3A_14] : memref<327680xi32, #tpu.memory_space<hbm>> -> memref<128xi32, #tpu.memory_space<hbm>>
        tpu.enqueue_dma source(%dma_start3A_20 : memref<128xi32, #tpu.memory_space<hbm>>) target(%arg7 : memref<128xi32, #tpu.memory_space<vmem>>) target_semaphore(%run_scoped3A : memref<!tpu.dma_semaphore, #tpu.memory_space<semaphore_mem>>)
        %dma_wait3A_21 = tpu.memref_slice %arg3[%add3A_14] : memref<327680xi32, #tpu.memory_space<hbm>> -> memref<128xi32, #tpu.memory_space<hbm>>
        %dma_wait3A_22 = tpu.memref_slice %arg3[%add3A_14] : memref<327680xi32, #tpu.memory_space<hbm>> -> memref<128xi32, #tpu.memory_space<hbm>>
        tpu.wait_dma2 semaphore(%run_scoped3A : memref<!tpu.dma_semaphore, #tpu.memory_space<semaphore_mem>>) src(%dma_wait3A_22 : memref<128xi32, #tpu.memory_space<hbm>>) dst(%arg7 : memref<128xi32, #tpu.memory_space<vmem>>)
        tpu.yield
      }) : () -> ()
      "tpu.region"() ({
        %run_scoped3A = tpu.sem_alloc : memref<!tpu.dma_semaphore, #tpu.memory_space<semaphore_mem>>
        %dma_start3A_19 = tpu.memref_slice %arg4[%add3A_14] : memref<327680xi32, #tpu.memory_space<hbm>> -> memref<128xi32, #tpu.memory_space<hbm>>
        %dma_start3A_20 = tpu.memref_slice %arg4[%add3A_14] : memref<327680xi32, #tpu.memory_space<hbm>> -> memref<128xi32, #tpu.memory_space<hbm>>
        tpu.enqueue_dma source(%dma_start3A_20 : memref<128xi32, #tpu.memory_space<hbm>>) target(%arg8 : memref<128xi32, #tpu.memory_space<vmem>>) target_semaphore(%run_scoped3A : memref<!tpu.dma_semaphore, #tpu.memory_space<semaphore_mem>>)
        %dma_wait3A_21 = tpu.memref_slice %arg4[%add3A_14] : memref<327680xi32, #tpu.memory_space<hbm>> -> memref<128xi32, #tpu.memory_space<hbm>>
        %dma_wait3A_22 = tpu.memref_slice %arg4[%add3A_14] : memref<327680xi32, #tpu.memory_space<hbm>> -> memref<128xi32, #tpu.memory_space<hbm>>
        tpu.wait_dma2 semaphore(%run_scoped3A : memref<!tpu.dma_semaphore, #tpu.memory_space<semaphore_mem>>) src(%dma_wait3A_22 : memref<128xi32, #tpu.memory_space<hbm>>) dst(%arg8 : memref<128xi32, #tpu.memory_space<vmem>>)
        tpu.yield
      }) : () -> ()
      %dma_start3A = arith.constant 0 : i32
      %dma_start3A_15 = arith.constant 0 : i32
      %dma_start3A_16 = tpu.memref_slice %arg2[%dma_start3A, %dma_start3A_15] : memref<10240x128xf32, #tpu.memory_space<hbm>> -> memref<10240x128xf32, #tpu.memory_space<hbm>>
      tpu.enqueue_indirect_dma source(%dma_start3A_16 : memref<10240x128xf32, #tpu.memory_space<hbm>>) target(%arg9 : memref<128x128xf32, #tpu.memory_space<vmem>>) offsets(%arg7 : memref<128xi32, #tpu.memory_space<vmem>>) semaphore(%arg11 : memref<!tpu.dma_semaphore, #tpu.memory_space<semaphore_mem>>)
      %dma_wait3A = arith.constant 0 : i32
      %dma_wait3A_17 = arith.constant 0 : i32
      %dma_wait3A_18 = tpu.memref_slice %arg2[%dma_wait3A, %dma_wait3A_17] : memref<10240x128xf32, #tpu.memory_space<hbm>> -> memref<10240x128xf32, #tpu.memory_space<hbm>>
      tpu.wait_indirect_dma semaphore(%arg11 : memref<!tpu.dma_semaphore, #tpu.memory_space<semaphore_mem>>) src(%dma_wait3A_18 : memref<10240x128xf32, #tpu.memory_space<hbm>>) dst(%arg9 : memref<128x128xf32, #tpu.memory_space<vmem>>)
      "tpu.region"() ({
        %run_scoped3A = tpu.sem_alloc : memref<!tpu.dma_semaphore, #tpu.memory_space<semaphore_mem>>
        %dma_start3A_19 = arith.constant 0 : i32
        %dma_start3A_20 = arith.constant 0 : i32
        %dma_start3A_21 = tpu.memref_slice %arg10[%dma_start3A_19, %dma_start3A_20] : memref<10240x128xf32, #tpu.memory_space<vmem_shared>> -> memref<10240x128xf32, #tpu.memory_space<vmem_shared>>
        tpu.enqueue_indirect_dma source(%arg9 : memref<128x128xf32, #tpu.memory_space<vmem>>) target(%dma_start3A_21 : memref<10240x128xf32, #tpu.memory_space<vmem_shared>>) offsets(%arg8 : memref<128xi32, #tpu.memory_space<vmem>>) semaphore(%run_scoped3A : memref<!tpu.dma_semaphore, #tpu.memory_space<semaphore_mem>>) {add = true}
        %dma_wait3A_22 = arith.constant 0 : i32
        %dma_wait3A_23 = arith.constant 0 : i32
        %dma_wait3A_24 = tpu.memref_slice %arg10[%dma_wait3A_22, %dma_wait3A_23] : memref<10240x128xf32, #tpu.memory_space<vmem_shared>> -> memref<10240x128xf32, #tpu.memory_space<vmem_shared>>
        tpu.wait_indirect_dma semaphore(%run_scoped3A : memref<!tpu.dma_semaphore, #tpu.memory_space<semaphore_mem>>) src(%arg9 : memref<128x128xf32, #tpu.memory_space<vmem>>) dst(%dma_wait3A_24 : memref<10240x128xf32, #tpu.memory_space<vmem_shared>>)
        tpu.yield
      }) : () -> ()
    }
    %scan3A_9 = arith.constant 80 : i32
    %barrier3A_10 = arith.constant 0 : index
    tpu.barrier barrier_id(%barrier3A_10)
    "tpu.region"() ({
      %run_scoped3A = tpu.sem_alloc : memref<!tpu.dma_semaphore, #tpu.memory_space<semaphore_mem>>
      %dma_start3A = arith.constant 0 : i32
      %dma_start3A_11 = tpu.memref_slice %arg6[%arg0, %mul3A_0, %dma_start3A] : memref<2x10240x128xf32, #tpu.memory_space<hbm>> -> memref<1x640x128xf32, #tpu.memory_space<hbm>>
      %dma_start3A_12 = tpu.memref_squeeze %dma_start3A_11 : memref<1x640x128xf32, #tpu.memory_space<hbm>> -> memref<640x128xf32, #tpu.memory_space<hbm>>
      %dma_start3A_13 = arith.constant 0 : i32
      %dma_start3A_14 = tpu.memref_slice %arg10[%mul3A_0, %dma_start3A_13] : memref<10240x128xf32, #tpu.memory_space<vmem_shared>> -> memref<640x128xf32, #tpu.memory_space<vmem_shared>>
      tpu.enqueue_dma source(%dma_start3A_14 : memref<640x128xf32, #tpu.memory_space<vmem_shared>>) target(%dma_start3A_12 : memref<640x128xf32, #tpu.memory_space<hbm>>) target_semaphore(%run_scoped3A : memref<!tpu.dma_semaphore, #tpu.memory_space<semaphore_mem>>)
      %dma_wait3A = arith.constant 0 : i32
      %dma_wait3A_15 = tpu.memref_slice %arg6[%arg0, %mul3A_0, %dma_wait3A] : memref<2x10240x128xf32, #tpu.memory_space<hbm>> -> memref<1x640x128xf32, #tpu.memory_space<hbm>>
      %dma_wait3A_16 = tpu.memref_squeeze %dma_wait3A_15 : memref<1x640x128xf32, #tpu.memory_space<hbm>> -> memref<640x128xf32, #tpu.memory_space<hbm>>
      %dma_wait3A_17 = arith.constant 0 : i32
      %dma_wait3A_18 = tpu.memref_slice %arg10[%mul3A_0, %dma_wait3A_17] : memref<10240x128xf32, #tpu.memory_space<vmem_shared>> -> memref<640x128xf32, #tpu.memory_space<vmem_shared>>
      tpu.wait_dma2 semaphore(%run_scoped3A : memref<!tpu.dma_semaphore, #tpu.memory_space<semaphore_mem>>) src(%dma_wait3A_18 : memref<640x128xf32, #tpu.memory_space<vmem_shared>>) dst(%dma_wait3A_16 : memref<640x128xf32, #tpu.memory_space<hbm>>)
      tpu.yield
    }) : () -> ()
    return
  }
}

#map = affine_map<(d0, d1) -> (0, 0)>
#map1 = affine_map<(d0, d1) -> (0)>
#map2 = affine_map<(d0, d1) -> (0, 0, 0)>
module attributes {stable_mosaic.version = 14 : i64} {
  func.func @_edge_kernel(%arg0: i32, %arg1: i32, %arg2: memref<10240x128xf32, #tpu.memory_space<hbm>>, %arg3: memref<327680xi32, #tpu.memory_space<hbm>>, %arg4: memref<327680xi32, #tpu.memory_space<hbm>>, %arg5: memref<10240x128xf32, #tpu.memory_space<hbm>>, %arg6: memref<2x10240x128xf32, #tpu.memory_space<hbm>>, %arg7: memref<128xi32, #tpu.memory_space<vmem>>, %arg8: memref<128xi32, #tpu.memory_space<vmem>>, %arg9: memref<128x128xf32, #tpu.memory_space<vmem>>, %arg10: memref<10240x128xf32, #tpu.memory_space<vmem_shared>>, %arg11: memref<!tpu.dma_semaphore, #tpu.memory_space<semaphore_mem>>) attributes {dimension_semantics = [#tpu.dimension_semantics<core_parallel>, #tpu.dimension_semantics<subcore_parallel>], iteration_bounds = array<i64: 2, 16>, scalar_prefetch = 0 : i64, scratch_operands = 5 : i64, tpu.core_type = #tpu.core_type<sc_vector_subcore>, window_params = [{transform_indices = #map}, {transform_indices = #map1}, {transform_indices = #map1}, {transform_indices = #map}, {transform_indices = #map2}]} {
    %mul3A = arith.constant 640 : i32
    %mul3A_0 = arith.muli %arg1, %mul3A : i32
    "tpu.region"() ({
      %run_scoped3A = tpu.sem_alloc : memref<!tpu.dma_semaphore, #tpu.memory_space<semaphore_mem>>
      %dma_start3A = arith.constant 0 : i32
      %dma_start3A_11 = tpu.memref_slice %arg10[%mul3A_0, %dma_start3A] : memref<10240x128xf32, #tpu.memory_space<vmem_shared>> -> memref<640x128xf32, #tpu.memory_space<vmem_shared>>
      %dma_start3A_12 = arith.constant 0 : i32
      %dma_start3A_13 = tpu.memref_slice %arg5[%mul3A_0, %dma_start3A_12] : memref<10240x128xf32, #tpu.memory_space<hbm>> -> memref<640x128xf32, #tpu.memory_space<hbm>>
      tpu.enqueue_dma source(%dma_start3A_13 : memref<640x128xf32, #tpu.memory_space<hbm>>) target(%dma_start3A_11 : memref<640x128xf32, #tpu.memory_space<vmem_shared>>) target_semaphore(%run_scoped3A : memref<!tpu.dma_semaphore, #tpu.memory_space<semaphore_mem>>)
      %dma_wait3A = arith.constant 0 : i32
      %dma_wait3A_14 = tpu.memref_slice %arg10[%mul3A_0, %dma_wait3A] : memref<10240x128xf32, #tpu.memory_space<vmem_shared>> -> memref<640x128xf32, #tpu.memory_space<vmem_shared>>
      %dma_wait3A_15 = arith.constant 0 : i32
      %dma_wait3A_16 = tpu.memref_slice %arg5[%mul3A_0, %dma_wait3A_15] : memref<10240x128xf32, #tpu.memory_space<hbm>> -> memref<640x128xf32, #tpu.memory_space<hbm>>
      tpu.wait_dma2 semaphore(%run_scoped3A : memref<!tpu.dma_semaphore, #tpu.memory_space<semaphore_mem>>) src(%dma_wait3A_16 : memref<640x128xf32, #tpu.memory_space<hbm>>) dst(%dma_wait3A_14 : memref<640x128xf32, #tpu.memory_space<vmem_shared>>)
      tpu.yield
    }) : () -> ()
    %barrier3A = arith.constant 0 : index
    tpu.barrier barrier_id(%barrier3A)
    %mul3A_1 = arith.constant 16 : i32
    %mul3A_2 = arith.muli %arg0, %mul3A_1 : i32
    %add3A = arith.addi %mul3A_2, %arg1 : i32
    %mul3A_3 = arith.constant 10240 : i32
    %mul3A_4 = arith.muli %add3A, %mul3A_3 : i32
    %scan3A = arith.constant 0 : i32
    %scan3A_5 = arith.constant 0 : i32
    %scan3A_6 = arith.constant 80 : i32
    %scan3A_7 = arith.addi %scan3A_5, %scan3A_6 : i32
    %scan3A_8 = arith.constant 1 : i32
    scf.for %scan3A_11 = %scan3A_5 to %scan3A_7 step %scan3A_8  : i32 {
      %mul3A_12 = arith.constant 128 : i32
      %mul3A_13 = arith.muli %scan3A_11, %mul3A_12 : i32
      %add3A_14 = arith.addi %mul3A_4, %mul3A_13 : i32
      "tpu.region"() ({
        %run_scoped3A = tpu.sem_alloc : memref<!tpu.dma_semaphore, #tpu.memory_space<semaphore_mem>>
        %dma_start3A_19 = tpu.memref_slice %arg3[%add3A_14] : memref<327680xi32, #tpu.memory_space<hbm>> -> memref<128xi32, #tpu.memory_space<hbm>>
        %dma_start3A_20 = tpu.memref_slice %arg3[%add3A_14] : memref<327680xi32, #tpu.memory_space<hbm>> -> memref<128xi32, #tpu.memory_space<hbm>>
        tpu.enqueue_dma source(%dma_start3A_20 : memref<128xi32, #tpu.memory_space<hbm>>) target(%arg7 : memref<128xi32, #tpu.memory_space<vmem>>) target_semaphore(%run_scoped3A : memref<!tpu.dma_semaphore, #tpu.memory_space<semaphore_mem>>)
        %dma_wait3A_21 = tpu.memref_slice %arg3[%add3A_14] : memref<327680xi32, #tpu.memory_space<hbm>> -> memref<128xi32, #tpu.memory_space<hbm>>
        %dma_wait3A_22 = tpu.memref_slice %arg3[%add3A_14] : memref<327680xi32, #tpu.memory_space<hbm>> -> memref<128xi32, #tpu.memory_space<hbm>>
        tpu.wait_dma2 semaphore(%run_scoped3A : memref<!tpu.dma_semaphore, #tpu.memory_space<semaphore_mem>>) src(%dma_wait3A_22 : memref<128xi32, #tpu.memory_space<hbm>>) dst(%arg7 : memref<128xi32, #tpu.memory_space<vmem>>)
        tpu.yield
      }) : () -> ()
      "tpu.region"() ({
        %run_scoped3A = tpu.sem_alloc : memref<!tpu.dma_semaphore, #tpu.memory_space<semaphore_mem>>
        %dma_start3A_19 = tpu.memref_slice %arg4[%add3A_14] : memref<327680xi32, #tpu.memory_space<hbm>> -> memref<128xi32, #tpu.memory_space<hbm>>
        %dma_start3A_20 = tpu.memref_slice %arg4[%add3A_14] : memref<327680xi32, #tpu.memory_space<hbm>> -> memref<128xi32, #tpu.memory_space<hbm>>
        tpu.enqueue_dma source(%dma_start3A_20 : memref<128xi32, #tpu.memory_space<hbm>>) target(%arg8 : memref<128xi32, #tpu.memory_space<vmem>>) target_semaphore(%run_scoped3A : memref<!tpu.dma_semaphore, #tpu.memory_space<semaphore_mem>>)
        %dma_wait3A_21 = tpu.memref_slice %arg4[%add3A_14] : memref<327680xi32, #tpu.memory_space<hbm>> -> memref<128xi32, #tpu.memory_space<hbm>>
        %dma_wait3A_22 = tpu.memref_slice %arg4[%add3A_14] : memref<327680xi32, #tpu.memory_space<hbm>> -> memref<128xi32, #tpu.memory_space<hbm>>
        tpu.wait_dma2 semaphore(%run_scoped3A : memref<!tpu.dma_semaphore, #tpu.memory_space<semaphore_mem>>) src(%dma_wait3A_22 : memref<128xi32, #tpu.memory_space<hbm>>) dst(%arg8 : memref<128xi32, #tpu.memory_space<vmem>>)
        tpu.yield
      }) : () -> ()
      %dma_start3A = arith.constant 0 : i32
      %dma_start3A_15 = arith.constant 0 : i32
      %dma_start3A_16 = tpu.memref_slice %arg2[%dma_start3A, %dma_start3A_15] : memref<10240x128xf32, #tpu.memory_space<hbm>> -> memref<10240x128xf32, #tpu.memory_space<hbm>>
      tpu.enqueue_indirect_dma source(%dma_start3A_16 : memref<10240x128xf32, #tpu.memory_space<hbm>>) target(%arg9 : memref<128x128xf32, #tpu.memory_space<vmem>>) offsets(%arg7 : memref<128xi32, #tpu.memory_space<vmem>>) semaphore(%arg11 : memref<!tpu.dma_semaphore, #tpu.memory_space<semaphore_mem>>)
      %dma_wait3A = arith.constant 0 : i32
      %dma_wait3A_17 = arith.constant 0 : i32
      %dma_wait3A_18 = tpu.memref_slice %arg2[%dma_wait3A, %dma_wait3A_17] : memref<10240x128xf32, #tpu.memory_space<hbm>> -> memref<10240x128xf32, #tpu.memory_space<hbm>>
      tpu.wait_indirect_dma semaphore(%arg11 : memref<!tpu.dma_semaphore, #tpu.memory_space<semaphore_mem>>) src(%dma_wait3A_18 : memref<10240x128xf32, #tpu.memory_space<hbm>>) dst(%arg9 : memref<128x128xf32, #tpu.memory_space<vmem>>)
      "tpu.region"() ({
        %run_scoped3A = tpu.sem_alloc : memref<!tpu.dma_semaphore, #tpu.memory_space<semaphore_mem>>
        %dma_start3A_19 = arith.constant 0 : i32
        %dma_start3A_20 = arith.constant 0 : i32
        %dma_start3A_21 = tpu.memref_slice %arg10[%dma_start3A_19, %dma_start3A_20] : memref<10240x128xf32, #tpu.memory_space<vmem_shared>> -> memref<10240x128xf32, #tpu.memory_space<vmem_shared>>
        tpu.enqueue_indirect_dma source(%arg9 : memref<128x128xf32, #tpu.memory_space<vmem>>) target(%dma_start3A_21 : memref<10240x128xf32, #tpu.memory_space<vmem_shared>>) offsets(%arg8 : memref<128xi32, #tpu.memory_space<vmem>>) semaphore(%run_scoped3A : memref<!tpu.dma_semaphore, #tpu.memory_space<semaphore_mem>>) {add = true}
        %dma_wait3A_22 = arith.constant 0 : i32
        %dma_wait3A_23 = arith.constant 0 : i32
        %dma_wait3A_24 = tpu.memref_slice %arg10[%dma_wait3A_22, %dma_wait3A_23] : memref<10240x128xf32, #tpu.memory_space<vmem_shared>> -> memref<10240x128xf32, #tpu.memory_space<vmem_shared>>
        tpu.wait_indirect_dma semaphore(%run_scoped3A : memref<!tpu.dma_semaphore, #tpu.memory_space<semaphore_mem>>) src(%arg9 : memref<128x128xf32, #tpu.memory_space<vmem>>) dst(%dma_wait3A_24 : memref<10240x128xf32, #tpu.memory_space<vmem_shared>>)
        tpu.yield
      }) : () -> ()
    }
    %scan3A_9 = arith.constant 80 : i32
    %barrier3A_10 = arith.constant 0 : index
    tpu.barrier barrier_id(%barrier3A_10)
    "tpu.region"() ({
      %run_scoped3A = tpu.sem_alloc : memref<!tpu.dma_semaphore, #tpu.memory_space<semaphore_mem>>
      %dma_start3A = arith.constant 0 : i32
      %dma_start3A_11 = tpu.memref_slice %arg6[%arg0, %mul3A_0, %dma_start3A] : memref<2x10240x128xf32, #tpu.memory_space<hbm>> -> memref<1x640x128xf32, #tpu.memory_space<hbm>>
      %dma_start3A_12 = tpu.memref_squeeze %dma_start3A_11 : memref<1x640x128xf32, #tpu.memory_space<hbm>> -> memref<640x128xf32, #tpu.memory_space<hbm>>
      %dma_start3A_13 = arith.constant 0 : i32
      %dma_start3A_14 = tpu.memref_slice %arg10[%mul3A_0, %dma_start3A_13] : memref<10240x128xf32, #tpu.memory_space<vmem_shared>> -> memref<640x128xf32, #tpu.memory_space<vmem_shared>>
      tpu.enqueue_dma source(%dma_start3A_14 : memref<640x128xf32, #tpu.memory_space<vmem_shared>>) target(%dma_start3A_12 : memref<640x128xf32, #tpu.memory_space<hbm>>) target_semaphore(%run_scoped3A : memref<!tpu.dma_semaphore, #tpu.memory_space<semaphore_mem>>)
      %dma_wait3A = arith.constant 0 : i32
      %dma_wait3A_15 = tpu.memref_slice %arg6[%arg0, %mul3A_0, %dma_wait3A] : memref<2x10240x128xf32, #tpu.memory_space<hbm>> -> memref<1x640x128xf32, #tpu.memory_space<hbm>>
      %dma_wait3A_16 = tpu.memref_squeeze %dma_wait3A_15 : memref<1x640x128xf32, #tpu.memory_space<hbm>> -> memref<640x128xf32, #tpu.memory_space<hbm>>
      %dma_wait3A_17 = arith.constant 0 : i32
      %dma_wait3A_18 = tpu.memref_slice %arg10[%mul3A_0, %dma_wait3A_17] : memref<10240x128xf32, #tpu.memory_space<vmem_shared>> -> memref<640x128xf32, #tpu.memory_space<vmem_shared>>
      tpu.wait_dma2 semaphore(%run_scoped3A : memref<!tpu.dma_semaphore, #tpu.memory_space<semaphore_mem>>) src(%dma_wait3A_18 : memref<640x128xf32, #tpu.memory_space<vmem_shared>>) dst(%dma_wait3A_16 : memref<640x128xf32, #tpu.memory_space<hbm>>)
      tpu.yield
    }) : () -> ()
    return
  }
}

module attributes {stable_mosaic.version = 14 : i64} {
  func.func @_mid_body(%arg0: memref<2x10240x128xf32, #tpu.memory_space<vmem>>, %arg1: memref<2x10240x128xf32, #tpu.memory_space<vmem>>, %arg2: memref<10240x128xf32, #tpu.memory_space<vmem>>, %arg3: memref<10240x128xf32, #tpu.memory_space<vmem>>, %arg4: memref<10000x1xf32, #tpu.memory_space<vmem>>, %arg5: memref<3x128xf32, #tpu.memory_space<vmem>>, %arg6: memref<3x128xf32, #tpu.memory_space<vmem>>, %arg7: memref<3x128xf32, #tpu.memory_space<vmem>>, %arg8: memref<3x128x128xf32, #tpu.memory_space<vmem>>, %arg9: memref<10000x128xf32, #tpu.memory_space<vmem>>, %arg10: memref<10240x128xf32, #tpu.memory_space<vmem>>) attributes {dimension_semantics = [], scalar_prefetch = 0 : i64, scratch_operands = 0 : i64, tpu.core_type = #tpu.core_type<tc>} {
    %get3A = arith.constant 0 : index
    %get3A_0 = arith.constant 0 : index
    %get3A_1 = vector.load %arg4[%get3A, %get3A_0] : memref<10000x1xf32, #tpu.memory_space<vmem>>, vector<10000x1xf32>
    %get3A_2 = arith.constant 0 : index
    %get3A_3 = arith.constant 0 : index
    %get3A_4 = arith.constant 0 : index
    %get3A_5 = vector.load %arg0[%get3A_2, %get3A_3, %get3A_4] : memref<2x10240x128xf32, #tpu.memory_space<vmem>>, vector<1x10000x128xf32>
    %get3A_6 = vector.shape_cast %get3A_5 : vector<1x10000x128xf32> to vector<10000x128xf32>
    %get3A_7 = arith.constant 1 : index
    %get3A_8 = arith.constant 0 : index
    %get3A_9 = arith.constant 0 : index
    %get3A_10 = vector.load %arg0[%get3A_7, %get3A_8, %get3A_9] : memref<2x10240x128xf32, #tpu.memory_space<vmem>>, vector<1x10000x128xf32>
    %get3A_11 = vector.shape_cast %get3A_10 : vector<1x10000x128xf32> to vector<10000x128xf32>
    %add3A = arith.addf %get3A_6, %get3A_11 : vector<10000x128xf32>
    %get3A_12 = arith.constant 0 : index
    %get3A_13 = arith.constant 0 : index
    %get3A_14 = vector.load %arg2[%get3A_12, %get3A_13] : memref<10240x128xf32, #tpu.memory_space<vmem>>, vector<10000x128xf32>
    %add3A_15 = arith.addf %add3A, %get3A_14 : vector<10000x128xf32>
    %mul3A = vector.broadcast %get3A_1 : vector<10000x1xf32> to vector<10000x128xf32>
    %mul3A_16 = arith.mulf %mul3A, %add3A_15 : vector<10000x128xf32>
    %get3A_17 = arith.constant 0 : index
    %get3A_18 = arith.constant 0 : index
    %get3A_19 = vector.load %arg5[%get3A_17, %get3A_18] : memref<3x128xf32, #tpu.memory_space<vmem>>, vector<1x128xf32>
    %get3A_20 = vector.shape_cast %get3A_19 : vector<1x128xf32> to vector<128xf32>
    %broadcast_in_dim3A = vector.shape_cast %get3A_20 : vector<128xf32> to vector<1x128xf32>
    %add3A_21 = vector.broadcast %broadcast_in_dim3A : vector<1x128xf32> to vector<10000x128xf32>
    %add3A_22 = arith.addf %mul3A_16, %add3A_21 : vector<10000x128xf32>
    %get3A_23 = arith.constant 0 : index
    %get3A_24 = arith.constant 0 : index
    %get3A_25 = vector.load %arg6[%get3A_23, %get3A_24] : memref<3x128xf32, #tpu.memory_space<vmem>>, vector<1x128xf32>
    %get3A_26 = vector.shape_cast %get3A_25 : vector<1x128xf32> to vector<128xf32>
    %get3A_27 = arith.constant 0 : index
    %get3A_28 = arith.constant 0 : index
    %get3A_29 = vector.load %arg7[%get3A_27, %get3A_28] : memref<3x128xf32, #tpu.memory_space<vmem>>, vector<1x128xf32>
    %get3A_30 = vector.shape_cast %get3A_29 : vector<1x128xf32> to vector<128xf32>
    %reduce_sum3A = arith.constant dense<0.000000e+00> : vector<128xf32>
    %reduce_sum3A_31 = vector.multi_reduction <add>, %add3A_22, %reduce_sum3A [0] : vector<10000x128xf32> to vector<128xf32>
    %div3A = arith.constant 1.000000e+04 : f32
    %div3A_32 = vector.broadcast %div3A : f32 to vector<128xf32>
    %div3A_33 = arith.divf %reduce_sum3A_31, %div3A_32 : vector<128xf32>
    %broadcast_in_dim3A_34 = vector.shape_cast %div3A_33 : vector<128xf32> to vector<1x128xf32>
    %sub3A = vector.broadcast %broadcast_in_dim3A_34 : vector<1x128xf32> to vector<10000x128xf32>
    %sub3A_35 = arith.subf %add3A_22, %sub3A : vector<10000x128xf32>
    %integer_pow3A = arith.mulf %sub3A_35, %sub3A_35 : vector<10000x128xf32>
    %reduce_sum3A_36 = arith.constant dense<0.000000e+00> : vector<128xf32>
    %reduce_sum3A_37 = vector.multi_reduction <add>, %integer_pow3A, %reduce_sum3A_36 [0] : vector<10000x128xf32> to vector<128xf32>
    %div3A_38 = arith.constant 1.000000e+04 : f32
    %div3A_39 = vector.broadcast %div3A_38 : f32 to vector<128xf32>
    %div3A_40 = arith.divf %reduce_sum3A_37, %div3A_39 : vector<128xf32>
    %broadcast_in_dim3A_41 = vector.shape_cast %div3A_33 : vector<128xf32> to vector<1x128xf32>
    %sub3A_42 = vector.broadcast %broadcast_in_dim3A_41 : vector<1x128xf32> to vector<10000x128xf32>
    %sub3A_43 = arith.subf %add3A_22, %sub3A_42 : vector<10000x128xf32>
    %add3A_44 = arith.constant 9.99999974E-6 : f32
    %add3A_45 = vector.broadcast %add3A_44 : f32 to vector<128xf32>
    %add3A_46 = arith.addf %div3A_40, %add3A_45 : vector<128xf32>
    %rsqrt3A = math.rsqrt %add3A_46 : vector<128xf32>
    %broadcast_in_dim3A_47 = vector.shape_cast %rsqrt3A : vector<128xf32> to vector<1x128xf32>
    %mul3A_48 = vector.broadcast %broadcast_in_dim3A_47 : vector<1x128xf32> to vector<10000x128xf32>
    %mul3A_49 = arith.mulf %sub3A_43, %mul3A_48 : vector<10000x128xf32>
    %broadcast_in_dim3A_50 = vector.shape_cast %get3A_26 : vector<128xf32> to vector<1x128xf32>
    %mul3A_51 = vector.broadcast %broadcast_in_dim3A_50 : vector<1x128xf32> to vector<10000x128xf32>
    %mul3A_52 = arith.mulf %mul3A_49, %mul3A_51 : vector<10000x128xf32>
    %broadcast_in_dim3A_53 = vector.shape_cast %get3A_30 : vector<128xf32> to vector<1x128xf32>
    %add3A_54 = vector.broadcast %broadcast_in_dim3A_53 : vector<1x128xf32> to vector<10000x128xf32>
    %add3A_55 = arith.addf %mul3A_52, %add3A_54 : vector<10000x128xf32>
    %get3A_56 = arith.constant 0 : index
    %get3A_57 = arith.constant 0 : index
    %get3A_58 = arith.constant 0 : index
    %get3A_59 = vector.load %arg1[%get3A_56, %get3A_57, %get3A_58] : memref<2x10240x128xf32, #tpu.memory_space<vmem>>, vector<1x10000x128xf32>
    %get3A_60 = vector.shape_cast %get3A_59 : vector<1x10000x128xf32> to vector<10000x128xf32>
    %get3A_61 = arith.constant 1 : index
    %get3A_62 = arith.constant 0 : index
    %get3A_63 = arith.constant 0 : index
    %get3A_64 = vector.load %arg1[%get3A_61, %get3A_62, %get3A_63] : memref<2x10240x128xf32, #tpu.memory_space<vmem>>, vector<1x10000x128xf32>
    %get3A_65 = vector.shape_cast %get3A_64 : vector<1x10000x128xf32> to vector<10000x128xf32>
    %add3A_66 = arith.addf %get3A_60, %get3A_65 : vector<10000x128xf32>
    %get3A_67 = arith.constant 0 : index
    %get3A_68 = arith.constant 0 : index
    %get3A_69 = vector.load %arg3[%get3A_67, %get3A_68] : memref<10240x128xf32, #tpu.memory_space<vmem>>, vector<10000x128xf32>
    %add3A_70 = arith.addf %add3A_66, %get3A_69 : vector<10000x128xf32>
    %mul3A_71 = vector.broadcast %get3A_1 : vector<10000x1xf32> to vector<10000x128xf32>
    %mul3A_72 = arith.mulf %mul3A_71, %add3A_70 : vector<10000x128xf32>
    %get3A_73 = arith.constant 1 : index
    %get3A_74 = arith.constant 0 : index
    %get3A_75 = vector.load %arg5[%get3A_73, %get3A_74] : memref<3x128xf32, #tpu.memory_space<vmem>>, vector<1x128xf32>
    %get3A_76 = vector.shape_cast %get3A_75 : vector<1x128xf32> to vector<128xf32>
    %broadcast_in_dim3A_77 = vector.shape_cast %get3A_76 : vector<128xf32> to vector<1x128xf32>
    %add3A_78 = vector.broadcast %broadcast_in_dim3A_77 : vector<1x128xf32> to vector<10000x128xf32>
    %add3A_79 = arith.addf %mul3A_72, %add3A_78 : vector<10000x128xf32>
    %get3A_80 = arith.constant 1 : index
    %get3A_81 = arith.constant 0 : index
    %get3A_82 = vector.load %arg6[%get3A_80, %get3A_81] : memref<3x128xf32, #tpu.memory_space<vmem>>, vector<1x128xf32>
    %get3A_83 = vector.shape_cast %get3A_82 : vector<1x128xf32> to vector<128xf32>
    %get3A_84 = arith.constant 1 : index
    %get3A_85 = arith.constant 0 : index
    %get3A_86 = vector.load %arg7[%get3A_84, %get3A_85] : memref<3x128xf32, #tpu.memory_space<vmem>>, vector<1x128xf32>
    %get3A_87 = vector.shape_cast %get3A_86 : vector<1x128xf32> to vector<128xf32>
    %reduce_sum3A_88 = arith.constant dense<0.000000e+00> : vector<128xf32>
    %reduce_sum3A_89 = vector.multi_reduction <add>, %add3A_79, %reduce_sum3A_88 [0] : vector<10000x128xf32> to vector<128xf32>
    %div3A_90 = arith.constant 1.000000e+04 : f32
    %div3A_91 = vector.broadcast %div3A_90 : f32 to vector<128xf32>
    %div3A_92 = arith.divf %reduce_sum3A_89, %div3A_91 : vector<128xf32>
    %broadcast_in_dim3A_93 = vector.shape_cast %div3A_92 : vector<128xf32> to vector<1x128xf32>
    %sub3A_94 = vector.broadcast %broadcast_in_dim3A_93 : vector<1x128xf32> to vector<10000x128xf32>
    %sub3A_95 = arith.subf %add3A_79, %sub3A_94 : vector<10000x128xf32>
    %integer_pow3A_96 = arith.mulf %sub3A_95, %sub3A_95 : vector<10000x128xf32>
    %reduce_sum3A_97 = arith.constant dense<0.000000e+00> : vector<128xf32>
    %reduce_sum3A_98 = vector.multi_reduction <add>, %integer_pow3A_96, %reduce_sum3A_97 [0] : vector<10000x128xf32> to vector<128xf32>
    %div3A_99 = arith.constant 1.000000e+04 : f32
    %div3A_100 = vector.broadcast %div3A_99 : f32 to vector<128xf32>
    %div3A_101 = arith.divf %reduce_sum3A_98, %div3A_100 : vector<128xf32>
    %broadcast_in_dim3A_102 = vector.shape_cast %div3A_92 : vector<128xf32> to vector<1x128xf32>
    %sub3A_103 = vector.broadcast %broadcast_in_dim3A_102 : vector<1x128xf32> to vector<10000x128xf32>
    %sub3A_104 = arith.subf %add3A_79, %sub3A_103 : vector<10000x128xf32>
    %add3A_105 = arith.constant 9.99999974E-6 : f32
    %add3A_106 = vector.broadcast %add3A_105 : f32 to vector<128xf32>
    %add3A_107 = arith.addf %div3A_101, %add3A_106 : vector<128xf32>
    %rsqrt3A_108 = math.rsqrt %add3A_107 : vector<128xf32>
    %broadcast_in_dim3A_109 = vector.shape_cast %rsqrt3A_108 : vector<128xf32> to vector<1x128xf32>
    %mul3A_110 = vector.broadcast %broadcast_in_dim3A_109 : vector<1x128xf32> to vector<10000x128xf32>
    %mul3A_111 = arith.mulf %sub3A_104, %mul3A_110 : vector<10000x128xf32>
    %broadcast_in_dim3A_112 = vector.shape_cast %get3A_83 : vector<128xf32> to vector<1x128xf32>
    %mul3A_113 = vector.broadcast %broadcast_in_dim3A_112 : vector<1x128xf32> to vector<10000x128xf32>
    %mul3A_114 = arith.mulf %mul3A_111, %mul3A_113 : vector<10000x128xf32>
    %broadcast_in_dim3A_115 = vector.shape_cast %get3A_87 : vector<128xf32> to vector<1x128xf32>
    %add3A_116 = vector.broadcast %broadcast_in_dim3A_115 : vector<1x128xf32> to vector<10000x128xf32>
    %add3A_117 = arith.addf %mul3A_114, %add3A_116 : vector<10000x128xf32>
    %add3A_118 = arith.addf %add3A_55, %add3A_117 : vector<10000x128xf32>
    %swap3A = arith.constant 0 : index
    %swap3A_119 = arith.constant 0 : index
    %swap3A_120 = vector.load %arg9[%swap3A, %swap3A_119] : memref<10000x128xf32, #tpu.memory_space<vmem>>, vector<10000x128xf32>
    tpu.vector_store %arg9[%swap3A, %swap3A_119], %add3A_118 {strides = array<i32>} : memref<10000x128xf32, #tpu.memory_space<vmem>>, vector<10000x128xf32>,
    %max3A = arith.constant 0.000000e+00 : f32
    %max3A_121 = vector.broadcast %max3A : f32 to vector<10000x128xf32>
    %max3A_122 = arith.maximumf %add3A_118, %max3A_121 : vector<10000x128xf32>
    %get3A_123 = arith.constant 2 : index
    %get3A_124 = arith.constant 0 : index
    %get3A_125 = arith.constant 0 : index
    %get3A_126 = vector.load %arg8[%get3A_123, %get3A_124, %get3A_125] : memref<3x128x128xf32, #tpu.memory_space<vmem>>, vector<1x128x128xf32>
    %get3A_127 = vector.shape_cast %get3A_126 : vector<1x128x128xf32> to vector<128x128xf32>
    %dot_general3A = arith.constant dense<0.000000e+00> : vector<10000x128xf32>
    %dot_general3A_128 = tpu.matmul %max3A_122, %get3A_127, %dot_general3A {dimension_numbers = #tpu.dot_dimension_numbers<[1], [0], [0], [1], [0, 0, 1, 1], [], []>, transpose_lhs_hint = false} : vector<10000x128xf32>, vector<128x128xf32>, vector<10000x128xf32> -> vector<10000x128xf32>
    %mul3A_129 = vector.broadcast %get3A_1 : vector<10000x1xf32> to vector<10000x128xf32>
    %mul3A_130 = arith.mulf %dot_general3A_128, %mul3A_129 : vector<10000x128xf32>
    %swap3A_131 = arith.constant 0 : index
    %swap3A_132 = arith.constant 0 : index
    %swap3A_133 = vector.load %arg10[%swap3A_131, %swap3A_132] : memref<10240x128xf32, #tpu.memory_space<vmem>>, vector<10000x128xf32>
    tpu.vector_store %arg10[%swap3A_131, %swap3A_132], %mul3A_130 {strides = array<i32>} : memref<10240x128xf32, #tpu.memory_space<vmem>>, vector<10000x128xf32>,
    %broadcast_in_dim3A_134 = arith.constant 0.000000e+00 : f32
    %broadcast_in_dim3A_135 = vector.broadcast %broadcast_in_dim3A_134 : f32 to vector<240x128xf32>
    %swap3A_136 = arith.constant 10000 : index
    %swap3A_137 = arith.constant 0 : index
    %swap3A_138 = vector.load %arg10[%swap3A_136, %swap3A_137] : memref<10240x128xf32, #tpu.memory_space<vmem>>, vector<240x128xf32>
    tpu.vector_store %arg10[%swap3A_136, %swap3A_137], %broadcast_in_dim3A_135 {strides = array<i32>} : memref<10240x128xf32, #tpu.memory_space<vmem>>, vector<240x128xf32>,
    return
  }
}

module attributes {stable_mosaic.version = 14 : i64} {
  func.func @_pre_body(%arg0: memref<10000x128xf32, #tpu.memory_space<vmem>>, %arg1: memref<10000x128xf32, #tpu.memory_space<vmem>>, %arg2: memref<2x128x128xf32, #tpu.memory_space<vmem>>, %arg3: memref<2x128xf32, #tpu.memory_space<vmem>>, %arg4: memref<2x128xf32, #tpu.memory_space<vmem>>, %arg5: memref<2x128xf32, #tpu.memory_space<vmem>>, %arg6: memref<3x128x128xf32, #tpu.memory_space<vmem>>, %arg7: memref<2x10240x16xf32, #tpu.memory_space<vmem>>, %arg8: memref<10240x128xf32, #tpu.memory_space<vmem>>, %arg9: memref<10240x128xf32, #tpu.memory_space<vmem>>, %arg10: memref<10000x1xf32, #tpu.memory_space<vmem>>) attributes {dimension_semantics = [], scalar_prefetch = 0 : i64, scratch_operands = 0 : i64, tpu.core_type = #tpu.core_type<tc>} {
    %get3A = arith.constant 0 : index
    %get3A_0 = arith.constant 0 : index
    %get3A_1 = arith.constant 0 : index
    %get3A_2 = vector.load %arg7[%get3A, %get3A_0, %get3A_1] : memref<2x10240x16xf32, #tpu.memory_space<vmem>>, vector<1x10000x16xf32>
    %get3A_3 = vector.shape_cast %get3A_2 : vector<1x10000x16xf32> to vector<10000x16xf32>
    %get3A_4 = arith.constant 1 : index
    %get3A_5 = arith.constant 0 : index
    %get3A_6 = arith.constant 0 : index
    %get3A_7 = vector.load %arg7[%get3A_4, %get3A_5, %get3A_6] : memref<2x10240x16xf32, #tpu.memory_space<vmem>>, vector<1x10000x16xf32>
    %get3A_8 = vector.shape_cast %get3A_7 : vector<1x10000x16xf32> to vector<10000x16xf32>
    %add3A = arith.addf %get3A_3, %get3A_8 : vector<10000x16xf32>
    %reduce_sum3A = arith.constant dense<0.000000e+00> : vector<10000xf32>
    %reduce_sum3A_9 = vector.multi_reduction <add>, %add3A, %reduce_sum3A [1] : vector<10000x16xf32> to vector<10000xf32>
    %add3A_10 = arith.constant 1.000000e+00 : f32
    %add3A_11 = vector.broadcast %add3A_10 : f32 to vector<10000xf32>
    %add3A_12 = arith.addf %reduce_sum3A_9, %add3A_11 : vector<10000xf32>
    %rsqrt3A = math.rsqrt %add3A_12 : vector<10000xf32>
    %broadcast_in_dim3A = vector.shape_cast %rsqrt3A : vector<10000xf32> to vector<10000x1xf32>
    %swap3A = arith.constant 0 : index
    %swap3A_13 = arith.constant 0 : index
    %swap3A_14 = vector.load %arg10[%swap3A, %swap3A_13] : memref<10000x1xf32, #tpu.memory_space<vmem>>, vector<10000x1xf32>
    tpu.vector_store %arg10[%swap3A, %swap3A_13], %broadcast_in_dim3A {strides = array<i32>} : memref<10000x1xf32, #tpu.memory_space<vmem>>, vector<10000x1xf32>,
    %get3A_15 = arith.constant 0 : index
    %get3A_16 = arith.constant 0 : index
    %get3A_17 = vector.load %arg0[%get3A_15, %get3A_16] : memref<10000x128xf32, #tpu.memory_space<vmem>>, vector<10000x128xf32>
    %get3A_18 = arith.constant 0 : index
    %get3A_19 = arith.constant 0 : index
    %get3A_20 = arith.constant 0 : index
    %get3A_21 = vector.load %arg2[%get3A_18, %get3A_19, %get3A_20] : memref<2x128x128xf32, #tpu.memory_space<vmem>>, vector<1x128x128xf32>
    %get3A_22 = vector.shape_cast %get3A_21 : vector<1x128x128xf32> to vector<128x128xf32>
    %dot_general3A = arith.constant dense<0.000000e+00> : vector<10000x128xf32>
    %dot_general3A_23 = tpu.matmul %get3A_17, %get3A_22, %dot_general3A {dimension_numbers = #tpu.dot_dimension_numbers<[1], [0], [0], [1], [0, 0, 1, 1], [], []>, transpose_lhs_hint = false} : vector<10000x128xf32>, vector<128x128xf32>, vector<10000x128xf32> -> vector<10000x128xf32>
    %get3A_24 = arith.constant 0 : index
    %get3A_25 = arith.constant 0 : index
    %get3A_26 = vector.load %arg3[%get3A_24, %get3A_25] : memref<2x128xf32, #tpu.memory_space<vmem>>, vector<1x128xf32>
    %get3A_27 = vector.shape_cast %get3A_26 : vector<1x128xf32> to vector<128xf32>
    %broadcast_in_dim3A_28 = vector.shape_cast %get3A_27 : vector<128xf32> to vector<1x128xf32>
    %add3A_29 = vector.broadcast %broadcast_in_dim3A_28 : vector<1x128xf32> to vector<10000x128xf32>
    %add3A_30 = arith.addf %dot_general3A_23, %add3A_29 : vector<10000x128xf32>
    %get3A_31 = arith.constant 0 : index
    %get3A_32 = arith.constant 0 : index
    %get3A_33 = vector.load %arg4[%get3A_31, %get3A_32] : memref<2x128xf32, #tpu.memory_space<vmem>>, vector<1x128xf32>
    %get3A_34 = vector.shape_cast %get3A_33 : vector<1x128xf32> to vector<128xf32>
    %get3A_35 = arith.constant 0 : index
    %get3A_36 = arith.constant 0 : index
    %get3A_37 = vector.load %arg5[%get3A_35, %get3A_36] : memref<2x128xf32, #tpu.memory_space<vmem>>, vector<1x128xf32>
    %get3A_38 = vector.shape_cast %get3A_37 : vector<1x128xf32> to vector<128xf32>
    %reduce_sum3A_39 = arith.constant dense<0.000000e+00> : vector<128xf32>
    %reduce_sum3A_40 = vector.multi_reduction <add>, %add3A_30, %reduce_sum3A_39 [0] : vector<10000x128xf32> to vector<128xf32>
    %div3A = arith.constant 1.000000e+04 : f32
    %div3A_41 = vector.broadcast %div3A : f32 to vector<128xf32>
    %div3A_42 = arith.divf %reduce_sum3A_40, %div3A_41 : vector<128xf32>
    %broadcast_in_dim3A_43 = vector.shape_cast %div3A_42 : vector<128xf32> to vector<1x128xf32>
    %sub3A = vector.broadcast %broadcast_in_dim3A_43 : vector<1x128xf32> to vector<10000x128xf32>
    %sub3A_44 = arith.subf %add3A_30, %sub3A : vector<10000x128xf32>
    %integer_pow3A = arith.mulf %sub3A_44, %sub3A_44 : vector<10000x128xf32>
    %reduce_sum3A_45 = arith.constant dense<0.000000e+00> : vector<128xf32>
    %reduce_sum3A_46 = vector.multi_reduction <add>, %integer_pow3A, %reduce_sum3A_45 [0] : vector<10000x128xf32> to vector<128xf32>
    %div3A_47 = arith.constant 1.000000e+04 : f32
    %div3A_48 = vector.broadcast %div3A_47 : f32 to vector<128xf32>
    %div3A_49 = arith.divf %reduce_sum3A_46, %div3A_48 : vector<128xf32>
    %broadcast_in_dim3A_50 = vector.shape_cast %div3A_42 : vector<128xf32> to vector<1x128xf32>
    %sub3A_51 = vector.broadcast %broadcast_in_dim3A_50 : vector<1x128xf32> to vector<10000x128xf32>
    %sub3A_52 = arith.subf %add3A_30, %sub3A_51 : vector<10000x128xf32>
    %add3A_53 = arith.constant 9.99999974E-6 : f32
    %add3A_54 = vector.broadcast %add3A_53 : f32 to vector<128xf32>
    %add3A_55 = arith.addf %div3A_49, %add3A_54 : vector<128xf32>
    %rsqrt3A_56 = math.rsqrt %add3A_55 : vector<128xf32>
    %broadcast_in_dim3A_57 = vector.shape_cast %rsqrt3A_56 : vector<128xf32> to vector<1x128xf32>
    %mul3A = vector.broadcast %broadcast_in_dim3A_57 : vector<1x128xf32> to vector<10000x128xf32>
    %mul3A_58 = arith.mulf %sub3A_52, %mul3A : vector<10000x128xf32>
    %broadcast_in_dim3A_59 = vector.shape_cast %get3A_34 : vector<128xf32> to vector<1x128xf32>
    %mul3A_60 = vector.broadcast %broadcast_in_dim3A_59 : vector<1x128xf32> to vector<10000x128xf32>
    %mul3A_61 = arith.mulf %mul3A_58, %mul3A_60 : vector<10000x128xf32>
    %broadcast_in_dim3A_62 = vector.shape_cast %get3A_38 : vector<128xf32> to vector<1x128xf32>
    %add3A_63 = vector.broadcast %broadcast_in_dim3A_62 : vector<1x128xf32> to vector<10000x128xf32>
    %add3A_64 = arith.addf %mul3A_61, %add3A_63 : vector<10000x128xf32>
    %max3A = arith.constant 0.000000e+00 : f32
    %max3A_65 = vector.broadcast %max3A : f32 to vector<10000x128xf32>
    %max3A_66 = arith.maximumf %add3A_64, %max3A_65 : vector<10000x128xf32>
    %get3A_67 = arith.constant 0 : index
    %get3A_68 = arith.constant 0 : index
    %get3A_69 = arith.constant 0 : index
    %get3A_70 = vector.load %arg6[%get3A_67, %get3A_68, %get3A_69] : memref<3x128x128xf32, #tpu.memory_space<vmem>>, vector<1x128x128xf32>
    %get3A_71 = vector.shape_cast %get3A_70 : vector<1x128x128xf32> to vector<128x128xf32>
    %dot_general3A_72 = arith.constant dense<0.000000e+00> : vector<10000x128xf32>
    %dot_general3A_73 = tpu.matmul %max3A_66, %get3A_71, %dot_general3A_72 {dimension_numbers = #tpu.dot_dimension_numbers<[1], [0], [0], [1], [0, 0, 1, 1], [], []>, transpose_lhs_hint = false} : vector<10000x128xf32>, vector<128x128xf32>, vector<10000x128xf32> -> vector<10000x128xf32>
    %mul3A_74 = vector.broadcast %broadcast_in_dim3A : vector<10000x1xf32> to vector<10000x128xf32>
    %mul3A_75 = arith.mulf %dot_general3A_73, %mul3A_74 : vector<10000x128xf32>
    %swap3A_76 = arith.constant 0 : index
    %swap3A_77 = arith.constant 0 : index
    %swap3A_78 = vector.load %arg8[%swap3A_76, %swap3A_77] : memref<10240x128xf32, #tpu.memory_space<vmem>>, vector<10000x128xf32>
    tpu.vector_store %arg8[%swap3A_76, %swap3A_77], %mul3A_75 {strides = array<i32>} : memref<10240x128xf32, #tpu.memory_space<vmem>>, vector<10000x128xf32>,
    %broadcast_in_dim3A_79 = arith.constant 0.000000e+00 : f32
    %broadcast_in_dim3A_80 = vector.broadcast %broadcast_in_dim3A_79 : f32 to vector<240x128xf32>
    %swap3A_81 = arith.constant 10000 : index
    %swap3A_82 = arith.constant 0 : index
    %swap3A_83 = vector.load %arg8[%swap3A_81, %swap3A_82] : memref<10240x128xf32, #tpu.memory_space<vmem>>, vector<240x128xf32>
    tpu.vector_store %arg8[%swap3A_81, %swap3A_82], %broadcast_in_dim3A_80 {strides = array<i32>} : memref<10240x128xf32, #tpu.memory_space<vmem>>, vector<240x128xf32>,
    %get3A_84 = arith.constant 0 : index
    %get3A_85 = arith.constant 0 : index
    %get3A_86 = vector.load %arg1[%get3A_84, %get3A_85] : memref<10000x128xf32, #tpu.memory_space<vmem>>, vector<10000x128xf32>
    %get3A_87 = arith.constant 1 : index
    %get3A_88 = arith.constant 0 : index
    %get3A_89 = arith.constant 0 : index
    %get3A_90 = vector.load %arg2[%get3A_87, %get3A_88, %get3A_89] : memref<2x128x128xf32, #tpu.memory_space<vmem>>, vector<1x128x128xf32>
    %get3A_91 = vector.shape_cast %get3A_90 : vector<1x128x128xf32> to vector<128x128xf32>
    %dot_general3A_92 = arith.constant dense<0.000000e+00> : vector<10000x128xf32>
    %dot_general3A_93 = tpu.matmul %get3A_86, %get3A_91, %dot_general3A_92 {dimension_numbers = #tpu.dot_dimension_numbers<[1], [0], [0], [1], [0, 0, 1, 1], [], []>, transpose_lhs_hint = false} : vector<10000x128xf32>, vector<128x128xf32>, vector<10000x128xf32> -> vector<10000x128xf32>
    %get3A_94 = arith.constant 1 : index
    %get3A_95 = arith.constant 0 : index
    %get3A_96 = vector.load %arg3[%get3A_94, %get3A_95] : memref<2x128xf32, #tpu.memory_space<vmem>>, vector<1x128xf32>
    %get3A_97 = vector.shape_cast %get3A_96 : vector<1x128xf32> to vector<128xf32>
    %broadcast_in_dim3A_98 = vector.shape_cast %get3A_97 : vector<128xf32> to vector<1x128xf32>
    %add3A_99 = vector.broadcast %broadcast_in_dim3A_98 : vector<1x128xf32> to vector<10000x128xf32>
    %add3A_100 = arith.addf %dot_general3A_93, %add3A_99 : vector<10000x128xf32>
    %get3A_101 = arith.constant 1 : index
    %get3A_102 = arith.constant 0 : index
    %get3A_103 = vector.load %arg4[%get3A_101, %get3A_102] : memref<2x128xf32, #tpu.memory_space<vmem>>, vector<1x128xf32>
    %get3A_104 = vector.shape_cast %get3A_103 : vector<1x128xf32> to vector<128xf32>
    %get3A_105 = arith.constant 1 : index
    %get3A_106 = arith.constant 0 : index
    %get3A_107 = vector.load %arg5[%get3A_105, %get3A_106] : memref<2x128xf32, #tpu.memory_space<vmem>>, vector<1x128xf32>
    %get3A_108 = vector.shape_cast %get3A_107 : vector<1x128xf32> to vector<128xf32>
    %reduce_sum3A_109 = arith.constant dense<0.000000e+00> : vector<128xf32>
    %reduce_sum3A_110 = vector.multi_reduction <add>, %add3A_100, %reduce_sum3A_109 [0] : vector<10000x128xf32> to vector<128xf32>
    %div3A_111 = arith.constant 1.000000e+04 : f32
    %div3A_112 = vector.broadcast %div3A_111 : f32 to vector<128xf32>
    %div3A_113 = arith.divf %reduce_sum3A_110, %div3A_112 : vector<128xf32>
    %broadcast_in_dim3A_114 = vector.shape_cast %div3A_113 : vector<128xf32> to vector<1x128xf32>
    %sub3A_115 = vector.broadcast %broadcast_in_dim3A_114 : vector<1x128xf32> to vector<10000x128xf32>
    %sub3A_116 = arith.subf %add3A_100, %sub3A_115 : vector<10000x128xf32>
    %integer_pow3A_117 = arith.mulf %sub3A_116, %sub3A_116 : vector<10000x128xf32>
    %reduce_sum3A_118 = arith.constant dense<0.000000e+00> : vector<128xf32>
    %reduce_sum3A_119 = vector.multi_reduction <add>, %integer_pow3A_117, %reduce_sum3A_118 [0] : vector<10000x128xf32> to vector<128xf32>
    %div3A_120 = arith.constant 1.000000e+04 : f32
    %div3A_121 = vector.broadcast %div3A_120 : f32 to vector<128xf32>
    %div3A_122 = arith.divf %reduce_sum3A_119, %div3A_121 : vector<128xf32>
    %broadcast_in_dim3A_123 = vector.shape_cast %div3A_113 : vector<128xf32> to vector<1x128xf32>
    %sub3A_124 = vector.broadcast %broadcast_in_dim3A_123 : vector<1x128xf32> to vector<10000x128xf32>
    %sub3A_125 = arith.subf %add3A_100, %sub3A_124 : vector<10000x128xf32>
    %add3A_126 = arith.constant 9.99999974E-6 : f32
    %add3A_127 = vector.broadcast %add3A_126 : f32 to vector<128xf32>
    %add3A_128 = arith.addf %div3A_122, %add3A_127 : vector<128xf32>
    %rsqrt3A_129 = math.rsqrt %add3A_128 : vector<128xf32>
    %broadcast_in_dim3A_130 = vector.shape_cast %rsqrt3A_129 : vector<128xf32> to vector<1x128xf32>
    %mul3A_131 = vector.broadcast %broadcast_in_dim3A_130 : vector<1x128xf32> to vector<10000x128xf32>
    %mul3A_132 = arith.mulf %sub3A_125, %mul3A_131 : vector<10000x128xf32>
    %broadcast_in_dim3A_133 = vector.shape_cast %get3A_104 : vector<128xf32> to vector<1x128xf32>
    %mul3A_134 = vector.broadcast %broadcast_in_dim3A_133 : vector<1x128xf32> to vector<10000x128xf32>
    %mul3A_135 = arith.mulf %mul3A_132, %mul3A_134 : vector<10000x128xf32>
    %broadcast_in_dim3A_136 = vector.shape_cast %get3A_108 : vector<128xf32> to vector<1x128xf32>
    %add3A_137 = vector.broadcast %broadcast_in_dim3A_136 : vector<1x128xf32> to vector<10000x128xf32>
    %add3A_138 = arith.addf %mul3A_135, %add3A_137 : vector<10000x128xf32>
    %max3A_139 = arith.constant 0.000000e+00 : f32
    %max3A_140 = vector.broadcast %max3A_139 : f32 to vector<10000x128xf32>
    %max3A_141 = arith.maximumf %add3A_138, %max3A_140 : vector<10000x128xf32>
    %get3A_142 = arith.constant 1 : index
    %get3A_143 = arith.constant 0 : index
    %get3A_144 = arith.constant 0 : index
    %get3A_145 = vector.load %arg6[%get3A_142, %get3A_143, %get3A_144] : memref<3x128x128xf32, #tpu.memory_space<vmem>>, vector<1x128x128xf32>
    %get3A_146 = vector.shape_cast %get3A_145 : vector<1x128x128xf32> to vector<128x128xf32>
    %dot_general3A_147 = arith.constant dense<0.000000e+00> : vector<10000x128xf32>
    %dot_general3A_148 = tpu.matmul %max3A_141, %get3A_146, %dot_general3A_147 {dimension_numbers = #tpu.dot_dimension_numbers<[1], [0], [0], [1], [0, 0, 1, 1], [], []>, transpose_lhs_hint = false} : vector<10000x128xf32>, vector<128x128xf32>, vector<10000x128xf32> -> vector<10000x128xf32>
    %mul3A_149 = vector.broadcast %broadcast_in_dim3A : vector<10000x1xf32> to vector<10000x128xf32>
    %mul3A_150 = arith.mulf %dot_general3A_148, %mul3A_149 : vector<10000x128xf32>
    %swap3A_151 = arith.constant 0 : index
    %swap3A_152 = arith.constant 0 : index
    %swap3A_153 = vector.load %arg9[%swap3A_151, %swap3A_152] : memref<10240x128xf32, #tpu.memory_space<vmem>>, vector<10000x128xf32>
    tpu.vector_store %arg9[%swap3A_151, %swap3A_152], %mul3A_150 {strides = array<i32>} : memref<10240x128xf32, #tpu.memory_space<vmem>>, vector<10000x128xf32>,
    %broadcast_in_dim3A_154 = arith.constant 0.000000e+00 : f32
    %broadcast_in_dim3A_155 = vector.broadcast %broadcast_in_dim3A_154 : f32 to vector<240x128xf32>
    %swap3A_156 = arith.constant 10000 : index
    %swap3A_157 = arith.constant 0 : index
    %swap3A_158 = vector.load %arg9[%swap3A_156, %swap3A_157] : memref<10240x128xf32, #tpu.memory_space<vmem>>, vector<240x128xf32>
    tpu.vector_store %arg9[%swap3A_156, %swap3A_157], %broadcast_in_dim3A_155 {strides = array<i32>} : memref<10240x128xf32, #tpu.memory_space<vmem>>, vector<240x128xf32>,
    return
  }
}

module attributes {stable_mosaic.version = 14 : i64} {
  func.func @_post_body(%arg0: memref<2x10240x128xf32, #tpu.memory_space<vmem>>, %arg1: memref<10240x128xf32, #tpu.memory_space<vmem>>, %arg2: memref<10000x128xf32, #tpu.memory_space<vmem>>, %arg3: memref<10000x1xf32, #tpu.memory_space<vmem>>, %arg4: memref<3x128xf32, #tpu.memory_space<vmem>>, %arg5: memref<3x128xf32, #tpu.memory_space<vmem>>, %arg6: memref<3x128xf32, #tpu.memory_space<vmem>>, %arg7: memref<10000x256xf32, #tpu.memory_space<vmem>>) attributes {dimension_semantics = [], scalar_prefetch = 0 : i64, scratch_operands = 0 : i64, tpu.core_type = #tpu.core_type<tc>} {
    %get3A = arith.constant 0 : index
    %get3A_0 = arith.constant 0 : index
    %get3A_1 = vector.load %arg3[%get3A, %get3A_0] : memref<10000x1xf32, #tpu.memory_space<vmem>>, vector<10000x1xf32>
    %get3A_2 = arith.constant 0 : index
    %get3A_3 = arith.constant 0 : index
    %get3A_4 = arith.constant 0 : index
    %get3A_5 = vector.load %arg0[%get3A_2, %get3A_3, %get3A_4] : memref<2x10240x128xf32, #tpu.memory_space<vmem>>, vector<1x10000x128xf32>
    %get3A_6 = vector.shape_cast %get3A_5 : vector<1x10000x128xf32> to vector<10000x128xf32>
    %get3A_7 = arith.constant 1 : index
    %get3A_8 = arith.constant 0 : index
    %get3A_9 = arith.constant 0 : index
    %get3A_10 = vector.load %arg0[%get3A_7, %get3A_8, %get3A_9] : memref<2x10240x128xf32, #tpu.memory_space<vmem>>, vector<1x10000x128xf32>
    %get3A_11 = vector.shape_cast %get3A_10 : vector<1x10000x128xf32> to vector<10000x128xf32>
    %add3A = arith.addf %get3A_6, %get3A_11 : vector<10000x128xf32>
    %get3A_12 = arith.constant 0 : index
    %get3A_13 = arith.constant 0 : index
    %get3A_14 = vector.load %arg1[%get3A_12, %get3A_13] : memref<10240x128xf32, #tpu.memory_space<vmem>>, vector<10000x128xf32>
    %add3A_15 = arith.addf %add3A, %get3A_14 : vector<10000x128xf32>
    %mul3A = vector.broadcast %get3A_1 : vector<10000x1xf32> to vector<10000x128xf32>
    %mul3A_16 = arith.mulf %mul3A, %add3A_15 : vector<10000x128xf32>
    %get3A_17 = arith.constant 2 : index
    %get3A_18 = arith.constant 0 : index
    %get3A_19 = vector.load %arg4[%get3A_17, %get3A_18] : memref<3x128xf32, #tpu.memory_space<vmem>>, vector<1x128xf32>
    %get3A_20 = vector.shape_cast %get3A_19 : vector<1x128xf32> to vector<128xf32>
    %broadcast_in_dim3A = vector.shape_cast %get3A_20 : vector<128xf32> to vector<1x128xf32>
    %add3A_21 = vector.broadcast %broadcast_in_dim3A : vector<1x128xf32> to vector<10000x128xf32>
    %add3A_22 = arith.addf %mul3A_16, %add3A_21 : vector<10000x128xf32>
    %get3A_23 = arith.constant 2 : index
    %get3A_24 = arith.constant 0 : index
    %get3A_25 = vector.load %arg5[%get3A_23, %get3A_24] : memref<3x128xf32, #tpu.memory_space<vmem>>, vector<1x128xf32>
    %get3A_26 = vector.shape_cast %get3A_25 : vector<1x128xf32> to vector<128xf32>
    %get3A_27 = arith.constant 2 : index
    %get3A_28 = arith.constant 0 : index
    %get3A_29 = vector.load %arg6[%get3A_27, %get3A_28] : memref<3x128xf32, #tpu.memory_space<vmem>>, vector<1x128xf32>
    %get3A_30 = vector.shape_cast %get3A_29 : vector<1x128xf32> to vector<128xf32>
    %reduce_sum3A = arith.constant dense<0.000000e+00> : vector<128xf32>
    %reduce_sum3A_31 = vector.multi_reduction <add>, %add3A_22, %reduce_sum3A [0] : vector<10000x128xf32> to vector<128xf32>
    %div3A = arith.constant 1.000000e+04 : f32
    %div3A_32 = vector.broadcast %div3A : f32 to vector<128xf32>
    %div3A_33 = arith.divf %reduce_sum3A_31, %div3A_32 : vector<128xf32>
    %broadcast_in_dim3A_34 = vector.shape_cast %div3A_33 : vector<128xf32> to vector<1x128xf32>
    %sub3A = vector.broadcast %broadcast_in_dim3A_34 : vector<1x128xf32> to vector<10000x128xf32>
    %sub3A_35 = arith.subf %add3A_22, %sub3A : vector<10000x128xf32>
    %integer_pow3A = arith.mulf %sub3A_35, %sub3A_35 : vector<10000x128xf32>
    %reduce_sum3A_36 = arith.constant dense<0.000000e+00> : vector<128xf32>
    %reduce_sum3A_37 = vector.multi_reduction <add>, %integer_pow3A, %reduce_sum3A_36 [0] : vector<10000x128xf32> to vector<128xf32>
    %div3A_38 = arith.constant 1.000000e+04 : f32
    %div3A_39 = vector.broadcast %div3A_38 : f32 to vector<128xf32>
    %div3A_40 = arith.divf %reduce_sum3A_37, %div3A_39 : vector<128xf32>
    %broadcast_in_dim3A_41 = vector.shape_cast %div3A_33 : vector<128xf32> to vector<1x128xf32>
    %sub3A_42 = vector.broadcast %broadcast_in_dim3A_41 : vector<1x128xf32> to vector<10000x128xf32>
    %sub3A_43 = arith.subf %add3A_22, %sub3A_42 : vector<10000x128xf32>
    %add3A_44 = arith.constant 9.99999974E-6 : f32
    %add3A_45 = vector.broadcast %add3A_44 : f32 to vector<128xf32>
    %add3A_46 = arith.addf %div3A_40, %add3A_45 : vector<128xf32>
    %rsqrt3A = math.rsqrt %add3A_46 : vector<128xf32>
    %broadcast_in_dim3A_47 = vector.shape_cast %rsqrt3A : vector<128xf32> to vector<1x128xf32>
    %mul3A_48 = vector.broadcast %broadcast_in_dim3A_47 : vector<1x128xf32> to vector<10000x128xf32>
    %mul3A_49 = arith.mulf %sub3A_43, %mul3A_48 : vector<10000x128xf32>
    %broadcast_in_dim3A_50 = vector.shape_cast %get3A_26 : vector<128xf32> to vector<1x128xf32>
    %mul3A_51 = vector.broadcast %broadcast_in_dim3A_50 : vector<1x128xf32> to vector<10000x128xf32>
    %mul3A_52 = arith.mulf %mul3A_49, %mul3A_51 : vector<10000x128xf32>
    %broadcast_in_dim3A_53 = vector.shape_cast %get3A_30 : vector<128xf32> to vector<1x128xf32>
    %add3A_54 = vector.broadcast %broadcast_in_dim3A_53 : vector<1x128xf32> to vector<10000x128xf32>
    %add3A_55 = arith.addf %mul3A_52, %add3A_54 : vector<10000x128xf32>
    %get3A_56 = arith.constant 0 : index
    %get3A_57 = arith.constant 0 : index
    %get3A_58 = vector.load %arg2[%get3A_56, %get3A_57] : memref<10000x128xf32, #tpu.memory_space<vmem>>, vector<10000x128xf32>
    %swap3A = arith.constant 0 : index
    %swap3A_59 = arith.constant 0 : index
    %swap3A_60 = vector.load %arg7[%swap3A, %swap3A_59] : memref<10000x256xf32, #tpu.memory_space<vmem>>, vector<10000x128xf32>
    tpu.vector_store %arg7[%swap3A, %swap3A_59], %get3A_58 {strides = array<i32>} : memref<10000x256xf32, #tpu.memory_space<vmem>>, vector<10000x128xf32>,
    %swap3A_61 = arith.constant 0 : index
    %swap3A_62 = arith.constant 128 : index
    %swap3A_63 = vector.load %arg7[%swap3A_61, %swap3A_62] : memref<10000x256xf32, #tpu.memory_space<vmem>>, vector<10000x128xf32>
    tpu.vector_store %arg7[%swap3A_61, %swap3A_62], %add3A_55 {strides = array<i32>} : memref<10000x256xf32, #tpu.memory_space<vmem>>, vector<10000x128xf32>,
    return
  }
}

</mosaic_0001>

<sc_bundles>
// kernel: kernel.12.cloned.1.call-start
scs
__scs_entry_jumppad:
0x0: {  	(pc) =	sbr.rel $0x88, $3  }
0x1: {  	(tag) =	ssettag $0x0;
	lr =	simm.s32 $0x1  }
0x2: {  	[smem:$0x3F96] =	sst lr;
	_ =	strace $0xD0000000  }
0x3: {  	_ = 	snop  }
0x4: {  	_ = 	snop  }
0x5: {  	_ = 	snop  }
0x6: {  	_ = 	snop  }
0x7: {  	_ = 	snop  }
__scs_overlays_trampoline_lowered:
0x8: {  	[smem:$0x3FA5] =	sst s0  }
0x9: {  	[smem:$0x3FA6] =	sst s1  }
0xa: {  	[smem:$0x3FA7] =	sst s2  }
0xb: {  	[smem:$0x3FA8] =	sst s3  }
0xc: {  	[smem:$0x3FA9] =	sst s4  }
0xd: {  	[smem:$0x3FAA] =	sst s5  }
0xe: {  	[smem:$0x3FAB] =	sst s6  }
0xf: {  	[smem:$0x3FAC] =	sst s7  }
0x10: {  	[smem:$0x3FAD] =	sst s8  }
0x11: {  	[smem:$0x3FAE] =	sst s9;
	s0 =	simm.s32 @!p0 $0x0  }
0x12: {  	s1 =	sld [smem:$0x3F94];
	s0 =	simm.s32 @p0 $0x1  }
0x13: {  	[smem:$0x3FAF] =	sst s0;
	s0 =	simm.s32 @!p1 $0x0  }
0x14: {  	s2 =	sld [smem:$0x3F93];
	s0 =	simm.s32 @p1 $0x1  }
0x15: {  	[smem:$0x3FB0] =	sst s0;
	s0 =	simm.s32 @!p2 $0x0  }
0x16: {  	s3 =	sld [smem:$0x3FDB];
	s0 =	simm.s32 @p2 $0x1  }
0x17: {  	s4 =	simm.s32 $0x1BF5;
	[smem:$0x3FB2] =	sst s0  }
0x18: {  	s0 =	sld [smem:$0x3F95];
	_ =	swait.ge [sflag:s4], $0x0  }
0x19: {  	s7 =	sld [smem:$0x3F96]  }
0x1a: {  	s8 =	sadd.s32 $0xFFFFE003, lr  }
0x1b: {  	s9 =	sadd.s32 $0xFFFFFEF7, lr;
	s5 =	simm.s32 $0xFFFFFFFF;
	p2 =	slt.u32 s8, $0xFFFFF086  }
0x1c: {  	p1 =	slt.u32 s9, $0xF7A;
	s5 =	simm.s32 @!p2 $0x0  }
0x1d: {  	s5 =	simm.s32 @p1 $0x1;
	p0 =	seq.s32 s7, s2  }
0x1e: {  	s7 =	smul.u32 @!p0 $0xF7A, s2;
	p2 =	seq.s32 @!p0 s5, $0x0  }
0x1f: {  	s9 =	smul.u32 $0xF7A, s1;
	s8 =	simm.s32 @!p0 $0x1BF5;
	p2 =	por !p2, p0  }
0x20: {  	[sflag:s8] =	ssyncset.s32 @!p0 $0xFFFFF086;
	s6 =	sadd.s32 @!p0 s3, s7;
	s7 =	simm.s32 @!p0 $0x108  }
0x21: {  	s3 =	sadd.s32 s3, s9;
	s6 =	sadd.s32 @!p0 $0x88, s6;
	s7 =	simm.s32 @p2 $0x1082  }
0x22: {  	[simem:s7], [sflag:s8] =	dma.local @!p0 [hbm:s6], $0xF7A  }
0x23: {  	s9 =	sor.u32 $0xD0000000, s2;
	s6 =	simm.s32 $0x108;
	_ =	swait.ge @!p0 [sflag:s8], $0x0  }
0x24: {  	s3 =	sadd.s32 $0x88, s3;
	s6 =	simm.s32 @!p1 $0x1082;
	[sflag:s4] =	ssyncset.s32 $0xFFFFF086  }
0x25: {  	[simem:s6], [sflag:s4] =	dma.local [hbm:s3], $0xF7A  }
0x26: {  	[smem:$0x3F96] =	sst s1;
	(tag) =	ssettag s2;
	_ =	strace s9  }
0x27: {  	s1 =	sld [smem:$0x3FA6]  }
0x28: {  	s2 =	sld [smem:$0x3FA7]  }
0x29: {  	s4 =	sld [smem:$0x3FA9]  }
0x2a: {  	p0 =	seq.s32 s5, $0x0;
	s5 =	sld [smem:$0x3FAA]  }
0x2b: {  	s6 =	sld [smem:$0x3FAB]  }
0x2c: {  	s7 =	sld [smem:$0x3FAC]  }
0x2d: {  	s3 =	simm.s32 $0x108;
	s8 =	sld [smem:$0x3FAD]  }
0x2e: {  	s3 =	simm.s32 @!p0 $0x1082;
	s9 =	sld [smem:$0x3FAE]  }
0x2f: {  	lr =	sadd.s32 s0, s3;
	s0 =	sld [smem:$0x3FA5]  }
0x30: {  	s3 =	sld [smem:$0x3FA8]  }
0x31: {  	[smem:$0x3FB1] =	sst s10  }
0x32: {  	s10 =	sld [smem:$0x3FAF];
	_ =	sdelay $0x3  }
0x33: {  	p0 =	seq.s32 s10, $0x1;
	s10 =	sld [smem:$0x3FB1];
	_ =	sdelay $0x3  }
0x34: {  	[smem:$0x3FB1] =	sst s10  }
0x35: {  	s10 =	sld [smem:$0x3FB0];
	_ =	sdelay $0x3  }
0x36: {  	p1 =	seq.s32 s10, $0x1;
	s10 =	sld [smem:$0x3FB1];
	_ =	sdelay $0x3  }
0x37: {  	[smem:$0x3FB1] =	sst s10  }
0x38: {  	s10 =	sld [smem:$0x3FB2]  }
0x39: {  	_ = 	snop;
	(pc) =	sbr.ind lr, $3  }
0x3a: {  	_ = 	snop  }
0x3b: {  	_ = 	snop  }
0x3c: {  	p2 =	seq.s32 s10, $0x1;
	s10 =	sld [smem:$0x3FB1]  }
0x3d: {  	_ =	shalt  }
0x3e: {  	_ =	shalt  }
0x3f: {  	_ =	shalt  }
0x40: {  	_ =	shalt  }
0x41: {  	_ =	shalt  }
0x42: {  	_ =	shalt  }
0x43: {  	_ =	shalt  }
0x44: {  	_ =	shalt  }
0x45: {  	_ =	shalt  }
0x46: {  	_ =	shalt  }
0x47: {  	_ =	shalt  }
0x48: {  	_ =	shalt  }
0x49: {  	_ =	shalt  }
0x4a: {  	_ =	shalt  }
0x4b: {  	_ =	shalt  }
0x4c: {  	_ =	shalt  }
0x4d: {  	_ =	shalt  }
0x4e: {  	_ =	shalt  }
0x4f: {  	_ =	shalt  }
0x50: {  	_ =	shalt  }
0x51: {  	_ =	shalt  }
0x52: {  	_ =	shalt  }
0x53: {  	_ =	shalt  }
0x54: {  	_ =	shalt  }
0x55: {  	_ =	shalt  }
0x56: {  	_ =	shalt  }
0x57: {  	_ =	shalt  }
0x58: {  	_ =	shalt  }
0x59: {  	_ =	shalt  }
0x5a: {  	_ =	shalt  }
0x5b: {  	_ =	shalt  }
0x5c: {  	_ =	shalt  }
0x5d: {  	_ =	shalt  }
0x5e: {  	_ =	shalt  }
0x5f: {  	_ =	shalt  }
0x60: {  	_ =	shalt  }
0x61: {  	_ =	shalt  }
0x62: {  	_ =	shalt  }
0x63: {  	_ =	shalt  }
0x64: {  	_ =	shalt  }
0x65: {  	_ =	shalt  }
0x66: {  	_ =	shalt  }
0x67: {  	_ =	shalt  }
0x68: {  	_ =	shalt  }
0x69: {  	_ =	shalt  }
0x6a: {  	_ =	shalt  }
0x6b: {  	_ =	shalt  }
0x6c: {  	_ =	shalt  }
0x6d: {  	_ =	shalt  }
0x6e: {  	_ =	shalt  }
0x6f: {  	_ =	shalt  }
0x70: {  	_ =	shalt  }
0x71: {  	_ =	shalt  }
0x72: {  	_ =	shalt  }
0x73: {  	_ =	shalt  }
0x74: {  	_ =	shalt  }
0x75: {  	_ =	shalt  }
0x76: {  	_ =	shalt  }
0x77: {  	_ =	shalt  }
0x78: {  	_ =	shalt  }
0x79: {  	_ =	shalt  }
0x7a: {  	_ =	shalt  }
0x7b: {  	_ =	shalt  }
0x7c: {  	_ =	shalt  }
0x7d: {  	_ =	shalt  }
0x7e: {  	_ =	shalt  }
0x7f: {  	_ =	shalt  }
0x80: {  	_ =	shalt  }
0x81: {  	_ =	shalt  }
0x82: {  	_ =	shalt  }
0x83: {  	_ =	shalt  }
0x84: {  	_ =	shalt  }
0x85: {  	_ =	shalt  }
0x86: {  	_ =	shalt  }
0x87: {  	_ =	shalt  }
.Lfunc_end0:
.L_simem_size_0:
called_computation.1_lowered:
.L_overlay_start_0:
0x88: {  	s2 =	sld [smem:$0x3FD9]  }
0x89: {  	s3 =	sld [smem:$0x3FFE];
	_ =	sdelay $0x1  }
0x8a: {  	s1 =	srdreg.scid  }
0x8b: {  	s0 =	sand.u32 $0x1, s1  }
0x8c: {  	s17 =	sshll.u32 s0, $0xA;
	s2 =	sadd.s32 s3, s2  }
0x8d: {  	s2 =	sadd.s32 s2, s17  }
0x8e: {  	[smem:$0x3FBD] =	sst s2  }
0x8f: {  	_ = 	snop  }
0x90: {  	s2 =	sld [smem:$0x3FD0];
	(tm) =	ssettm $0x1  }
0x91: {  	s18 =	sld [smem:$0x3FFB];
	_ =	sdelay $0x3  }
0x92: {  	_ =	strace s18  }
0x93: {  	s3 =	sld [smem:$0x3FFC];
	_ =	sdelay $0x3  }
0x94: {  	_ =	strace s3  }
0x95: {  	s3 =	sld [smem:$0x3FFD];
	_ =	sdelay $0x3  }
0x96: {  	_ =	strace s3  }
0x97: {  	_ =	strace $0x8FFFFFFF  }
0x98: {  	s19 =	sld [smem:$0x3FDB];
	_ =	sdelay $0x1  }
0x99: {  	s4 =	simm.s32 $_scs_section_size  }
0x9a: {  	s5 =	simm.s32 $_size__tile_overlayer_lowered;
	s6 =	simm.s32 $_tile_overlayer_lowered  }
0x9b: {  	s22 =	simm.s32 $0x1BFF;
	s21 =	sshll.u32 s6, $0x1;
	s3 =	sadd.s32 s4, s19  }
0x9c: {  	s7 =	simm.s32 $0x0;
	s20 =	sshll.u32 s5, $0x1;
	s5 =	sadd.s32 s21, s3  }
0x9d: {  	[timem:s7], [sflag:s22] =	dma.local [hbm:s5], s20  }
0x9e: {  	_ =	swait.ge [sflag:s22], s20  }
0x9f: {  	s4 =	ssub.s32 $0x0, s20;
	[sflag:s22] =	ssyncset.done $0x0  }
0xa0: {  	[sflag:s22] =	ssyncadd.s32 s4;
	_ =	sdelay $0x1  }
0xa1: {  	s23 =	simm.s32 $0x1B8B  }
0xa2: {  	_ =	swait.ge [sflag:s23], $0x1  }
0xa3: {  	[sflag:s23] =	ssyncset.done $0x0  }
0xa4: {  	s25 =	simm.s32 $0x1B8E;
	s24 =	sld [smem:$0x3FFE];
	[sflag:s23] =	ssyncadd.s32 $0xFFFFFFFF  }
0xa5: {  	s26 =	simm.s32 $execute0_lowered;
	[smem:$0x3FD2] =	sst s25  }
0xa6: {  	s5 =	sshll.u32 s26, $0x1;
	_ =	strace $0x80000049;
	[dreg:$0x1] =	wrdreg $0xFFFFFFFF  }
0xa7: {  	s28 =	simm.s32 $_size_execute0_lowered;
	s3 =	sadd.s32 s3, s5;
	[dreg:$0x0] =	wrdreg $0x0  }
0xa8: {  	s5 =	sshll.u32 s28, $0x1;
	[dreg:$0x2] =	wrdreg s3  }
0xa9: {  	[dreg:$0x3] =	wrdreg s5  }
0xaa: {  	[dreg:$0x4] =	wrdreg $0xC0  }
0xab: {  	_ =	task [dreg:s7], $0x5FFFF  }
0xac: {  	[dreg:$0x1] =	wrdreg $0xFFFFFFFF  }
0xad: {  	[dreg:$0x0] =	wrdreg $0x60  }
0xae: {  	[dreg:$0x2] =	wrdreg s2  }
0xaf: {  	[dreg:$0x3] =	wrdreg s24  }
0xb0: {  	[dreg:$0x4] =	wrdreg $0x41000  }
0xb1: {  	[dreg:$0x5] =	wrdreg $0x9  }
0xb2: {  	_ =	task.clear_ibuf [dreg:s7], $0x6FFFF;
	_ =	strace $0x90000049  }
0xb3: {  	s29 =	simm.s32 $0x9;
	_ =	strace $0x8000004B  }
0xb4: {  	_ =	swait.ge [sflag:s29], $0x1  }
0xb5: {  	[sflag:s29] =	ssyncadd.s32 $0xFFFFFFFF  }
0xb6: {  	_ =	strace $0x9000004B  }
0xb7: {  	_ =	sfence  }
0xb8: {  	s30 =	sld [smem:$0x0];
	_ =	sdelay $0x2  }
0xb9: {  	s31 =	sshll.u32 s1, $0xD;
	s1 =	sshrl.u32 s1, $0x2  }
0xba: {  	s3 =	sand.u32 $0x4000, s31;
	s1 =	sadd.s32 s1, s30  }
0xbb: {  	s0 =	sor.u32 s3, s0;
	s1 =	sshll.u32 s1, $0x11  }
0xbc: {  	s0 =	sor.u32 s1, s0  }
0xbd: {  	s0 =	sadd.s32 $0x8F2B, s0  }
0xbe: {  	[sflag:s0] =	ssyncadd.remote.s32 $0x1  }
0xbf: {  	_ =	sfence.sel $0xFFFF  }
0xc0: {  	[dreg:$0x0] =	wrdreg $0xFFFFFFFF;
	(pc) =	sbr.abs _section_cstart, $3  }
0xc1: {  	[dreg:$0x1] =	wrdreg $0xFFFFFFFF  }
0xc2: {  	_ =	task.clear_ibuf [dreg:s7], $0x2FFFF;
	_ =	strace $0x9FFFFFFF  }
0xc3: {  	(tm) =	ssettm $0x7FFFFFFF  }
tec
execute0_lowered:
.L_overlay_start_1:
0x0: {  	(tag) =	ssettag $0x1  }
0x1: {  	s0 =	rddreg [dreg:$0x0]  }
0x2: {  	s5 =	rddreg [dreg:$0x1]  }
0x3: {  	s1 =	srdreg.scid;
	s2 =	stileid.u32  }
0x4: {  	s3 =	rddreg [dreg:$0x2];
	s4 =	simm.s32 $0x0;
	s8 =	smul.u32 $0x14000, s2  }
0x5: {  	s13 =	simm.s32 $0x80;
	s14 =	simm.s32 $0x100;
	s26 =	smul.u32 $0x50000, s2  }
0x6: {  	s15 =	simm.s32 $0x1;
	s6 =	sand.u32 $0x1, s1;
	s30 =	smul.u32 $0x500, s2  }
0x7: {  	s16 =	simm.s32 $0x0;
	s1 =	rddreg [dreg:$0x3];
	s7 =	smul.u32 $0x5000, s6  }
0x8: {  	[smem:$0x7FF] =	sst s4;
	s31 =	sshll.u32 s2, $0x6;
	s9 =	smul.u32 $0x140000, s6  }
0x9: {  	_ =	strace $0x8000004A;
	s6 =	ssub.s32 $0x2, s6;
	s25 =	sshrl.u32 s8, $0x3  }
0xa: {  	s28 =	sshrl.u32 s6, $0x1;
	s29 =	sshrl.u32 s26, $0x2;
	s10 =	sadd.s32 s7, s5  }
0xb: {  	s8 =	sadd.s32 s8, s9;
	s7 =	sadd.s32 s25, s5;
	s11 =	ssub.s32 s6, s28  }
0xc: {  	s12 =	sadd.s32 s29, s3;
	s6 =	sor.u32 $0x1C02, s31;
	s8 =	sshrl.u32 s8, $0x3  }
0xd: {  	s10 =	sadd.s32 s30, s10;
	s8 =	sadd.s32 s8, s5;
	s5 =	sadd.s32 $0x14E00, s7  }
0xe: {  	s9 =	sadd.s32 $0xAE00, s10;
	s10 =	sadd.s32 $0xE00, s10;
	s7 =	sadd.s32 $0xB4000, s8  }
0xf: {  	s8 =	smax.u32 s11, $0x1;
	s11 =	sshrl.u32 s12, $0x3;
	s12 =	simm.s32 $0x2  }
.LBB2_1:
0x10: {  	[spmem:s11], [sflag:s6] =	dma.local [hbm:s5], $0x2800  }
0x11: {  	_ =	swait.ge [sflag:s12], $0x2800  }
0x12: {  	[sflag:s12] =	ssyncset.done $0x0  }
0x13: {  	[sflag:s12] =	ssyncadd.s32 $0xFFFFD800  }
0x14: {  	s17 =	sadd.s32 $0x0, s10;
	[bflag:$0x0] =	sbarrier.arrive $0xFFFF  }
0x15: {  	[tilespmem:s4], [sflag:$0x2] =	stream.linear.gather [hbm4b:s17+s4], $0x80, $0x38;
	[tilespmem:$0x18100] =	vst v63  }
0x16: {  	_ =	swait.ge [sflag:s12], $0x80  }
0x17: {  	[sflag:s12] =	ssyncset.done $0x0  }
0x18: {  	s31 =	sadd.s32 $0x0, s9;
	[sflag:s12] =	ssyncadd.s32 $0xFFFFFF80  }
0x19: {  	[tilespmem:s13], [sflag:$0x2] =	stream.linear.gather [hbm4b:s31+s4], $0x80, $0x38;
	[tilespmem:$0x18100] =	vst v63  }
0x1a: {  	_ =	swait.ge [sflag:s12], $0x80  }
0x1b: {  	[sflag:s12] =	ssyncset.done $0x0  }
0x1c: {  	[sflag:s12] =	ssyncadd.s32 $0xFFFFFF80  }
0x1d: {  	[tilespmem:s14], [sflag:$0x1] =	stream.indirect.gather [hbm4b:s0+s13], $0x80, s4, s13, $0xb8;
	[tilespmem:$0x18100] =	vst v63  }
0x1e: {  	_ =	swait.ge [sflag:s15], $0x4000  }
0x1f: {  	[sflag:s15] =	ssyncset.done $0x0  }
0x20: {  	[sflag:s15] =	ssyncadd.s32 $0xFFFFC000  }
0x21: {  	[spmem:s3] =	stream.indirect.scatter.add.f32 [tilespmem:s14], [sflag:$0x2], $0x80, s13, s13, $0xb8;
	[tilespmem:$0x18100] =	vst v63  }
0x22: {  	_ =	swait.ge [sflag:s12], $0x4000  }
0x23: {  	s18 =	simm.s32 $0x20;
	s17 =	simm.s32 $0x10;
	[sflag:s12] =	ssyncset.done $0x0  }
.LBB2_2:
0x24: {  	s19 =	sadd.s32 s17, s10  }
0x25: {  	[sflag:s12] =	ssyncadd.s32 $0xFFFFC000;
	s20 =	smov.u32 s18;
	s21 =	sadd.s32 $0x10, s18  }
0x26: {  	[tilespmem:s4], [sflag:$0x2] =	stream.linear.gather [hbm4b:s19+s4], $0x80, $0x38;
	[tilespmem:$0x18100] =	vst v63  }
0x27: {  	p0 =	sne.s32 s18, $0x4F0;
	_ =	swait.ge [sflag:s12], $0x80  }
0x28: {  	[sflag:s12] =	ssyncset.done $0x0  }
0x29: {  	s18 =	sadd.s32 s17, s9;
	s17 =	smov.u32 s20;
	[sflag:s12] =	ssyncadd.s32 $0xFFFFFF80  }
0x2a: {  	[tilespmem:s13], [sflag:$0x2] =	stream.linear.gather [hbm4b:s18+s4], $0x80, $0x38;
	[tilespmem:$0x18100] =	vst v63  }
0x2b: {  	_ =	swait.ge [sflag:s12], $0x80  }
0x2c: {  	[sflag:s12] =	ssyncset.done $0x0  }
0x2d: {  	[sflag:s12] =	ssyncadd.s32 $0xFFFFFF80  }
0x2e: {  	[tilespmem:s14], [sflag:$0x1] =	stream.indirect.gather [hbm4b:s0+s13], $0x80, s4, s13, $0xb8;
	[tilespmem:$0x18100] =	vst v63  }
0x2f: {  	_ =	swait.ge [sflag:s15], $0x4000  }
.Ltmp0:
0x30: {  	[sflag:s15] =	ssyncset.done $0x0;
	(pc) =	sbr.rel @p0 .LBB2_2-.Ltmp0, $4  }
0x31: {  	[sflag:s15] =	ssyncadd.s32 $0xFFFFC000  }
0x32: {  	[spmem:s3] =	stream.indirect.scatter.add.f32 [tilespmem:s14], [sflag:$0x2], $0x80, s13, s13, $0xb8;
	[tilespmem:$0x18100] =	vst v63  }
0x33: {  	_ =	swait.ge [sflag:s12], $0x4000  }
0x34: {  	s18 =	smov.u32 s21;
	[sflag:s12] =	ssyncset.done $0x0  }
0x35: {  	s18 =	sadd.s32 s17, s10;
	[sflag:s12] =	ssyncadd.s32 $0xFFFFC000  }
0x36: {  	[tilespmem:s4], [sflag:$0x2] =	stream.linear.gather [hbm4b:s18+s4], $0x80, $0x38;
	[tilespmem:$0x18100] =	vst v63  }
0x37: {  	_ =	swait.ge [sflag:s12], $0x80  }
0x38: {  	[sflag:s12] =	ssyncset.done $0x0  }
0x39: {  	s31 =	sadd.s32 s17, s9;
	[sflag:s12] =	ssyncadd.s32 $0xFFFFFF80  }
0x3a: {  	[tilespmem:s13], [sflag:$0x2] =	stream.linear.gather [hbm4b:s31+s4], $0x80, $0x38;
	[tilespmem:$0x18100] =	vst v63  }
0x3b: {  	_ =	swait.ge [sflag:s12], $0x80  }
0x3c: {  	[sflag:s12] =	ssyncset.done $0x0  }
0x3d: {  	[sflag:s12] =	ssyncadd.s32 $0xFFFFFF80  }
0x3e: {  	[tilespmem:s14], [sflag:$0x1] =	stream.indirect.gather [hbm4b:s0+s13], $0x80, s4, s13, $0xb8;
	[tilespmem:$0x18100] =	vst v63  }
0x3f: {  	_ =	swait.ge [sflag:s15], $0x4000  }
0x40: {  	[sflag:s15] =	ssyncset.done $0x0  }
0x41: {  	[sflag:s15] =	ssyncadd.s32 $0xFFFFC000  }
0x42: {  	[spmem:s3] =	stream.indirect.scatter.add.f32 [tilespmem:s14], [sflag:$0x2], $0x80, s13, s13, $0xb8;
	[tilespmem:$0x18100] =	vst v63  }
0x43: {  	_ =	swait.ge [sflag:s12], $0x4000  }
0x44: {  	s16 =	sadd.s32 $0x1, s16;
	[sflag:s12] =	ssyncset.done $0x0  }
0x45: {  	p0 =	sne.s32 s16, s8;
	[sflag:s12] =	ssyncadd.s32 $0xFFFFC000  }
.Ltmp1:
0x46: {  	[bflag:$0x0] =	sbarrier.arrive $0xFFFF;
	(pc) =	sbr.rel @p0 .LBB2_1-.Ltmp1, $4  }
0x47: {  	[hbm:s7], [sflag:s6] =	dma.local [spmem:s11], $0x2800  }
0x48: {  	_ =	swait.ge [sflag:s12], $0x2800  }
0x49: {  	[sflag:s12] =	ssyncset.done $0x0  }
0x4a: {  	[sflag:s12] =	ssyncadd.s32 $0xFFFFD800  }
0x4b: {  	_ =	sfence.sel $0x180000  }
0x4c: {  	[bflag:$0x0] =	sbarrier.arrive $0xFFFF  }
0x4d: {  	p0 =	sne.s32 s2, $0x0;
	_ =	strace $0x9000004A  }
0x4e: {  	s0 =	sadd.s32 @!p0 $0x100000, s1;
	[bflag:$0x2] =	sbarrier.arrive $0xFFFF  }
0x4f: {  	[sflag:s0] =	ssyncadd.tile.s32 @!p0 $0x1;
	_ =	shalt  }
.Lfunc_end2:
_tile_overlayer_lowered:
.L_overlay_start_2:
0x50: {  	(tag) =	ssettag $0x2  }
0x51: {  	s0 =	rddreg [dreg:$0x0];
	s2 =	stileid.u32  }
0x52: {  	s1 =	rddreg [dreg:$0x1];
	p0 =	sne.s32 s2, $0x0  }
0x53: {  	s3 =	rddreg [dreg:$0x2];
	[bflag:$0x3] =	sbarrier.arrive $0xFFFF;
	s2 =	simm.s32 @!p0 $0x1C02  }
0x54: {  	[timem:s3], [sflag:s2] =	dma.local @!p0 [hbm:s0], s1  }
0x55: {  	s0 =	simm.s32 @!p0 $0x2  }
0x56: {  	_ =	swait.ge @!p0 [sflag:s0], s1  }
0x57: {  	s1 =	ssub.s32 @!p0 $0x0, s1;
	[sflag:s0] =	ssyncset.done @!p0 $0x0  }
0x58: {  	[sflag:s0] =	ssyncadd.s32 @!p0 s1  }
0x59: {  	[bflag:$0x3] =	sbarrier.arrive $0xFFFF  }
0x5a: {  	_ =	shalt  }

// kernel: kernel.15.cloned.1.call-start
scs
__scs_entry_jumppad:
0x0: {  	(pc) =	sbr.rel $0x88, $3  }
0x1: {  	(tag) =	ssettag $0x0;
	lr =	simm.s32 $0x1  }
0x2: {  	[smem:$0x3F96] =	sst lr;
	_ =	strace $0xD0000000  }
0x3: {  	_ = 	snop  }
0x4: {  	_ = 	snop  }
0x5: {  	_ = 	snop  }
0x6: {  	_ = 	snop  }
0x7: {  	_ = 	snop  }
__scs_overlays_trampoline_lowered:
0x8: {  	[smem:$0x3FA5] =	sst s0  }
0x9: {  	[smem:$0x3FA6] =	sst s1  }
0xa: {  	[smem:$0x3FA7] =	sst s2  }
0xb: {  	[smem:$0x3FA8] =	sst s3  }
0xc: {  	[smem:$0x3FA9] =	sst s4  }
0xd: {  	[smem:$0x3FAA] =	sst s5  }
0xe: {  	[smem:$0x3FAB] =	sst s6  }
0xf: {  	[smem:$0x3FAC] =	sst s7  }
0x10: {  	[smem:$0x3FAD] =	sst s8  }
0x11: {  	[smem:$0x3FAE] =	sst s9;
	s0 =	simm.s32 @!p0 $0x0  }
0x12: {  	s1 =	sld [smem:$0x3F94];
	s0 =	simm.s32 @p0 $0x1  }
0x13: {  	[smem:$0x3FAF] =	sst s0;
	s0 =	simm.s32 @!p1 $0x0  }
0x14: {  	s2 =	sld [smem:$0x3F93];
	s0 =	simm.s32 @p1 $0x1  }
0x15: {  	[smem:$0x3FB0] =	sst s0;
	s0 =	simm.s32 @!p2 $0x0  }
0x16: {  	s3 =	sld [smem:$0x3FDB];
	s0 =	simm.s32 @p2 $0x1  }
0x17: {  	s4 =	simm.s32 $0x1BF5;
	[smem:$0x3FB2] =	sst s0  }
0x18: {  	s0 =	sld [smem:$0x3F95];
	_ =	swait.ge [sflag:s4], $0x0  }
0x19: {  	s7 =	sld [smem:$0x3F96]  }
0x1a: {  	s8 =	sadd.s32 $0xFFFFE003, lr  }
0x1b: {  	s9 =	sadd.s32 $0xFFFFFEF7, lr;
	s5 =	simm.s32 $0xFFFFFFFF;
	p2 =	slt.u32 s8, $0xFFFFF086  }
0x1c: {  	p1 =	slt.u32 s9, $0xF7A;
	s5 =	simm.s32 @!p2 $0x0  }
0x1d: {  	s5 =	simm.s32 @p1 $0x1;
	p0 =	seq.s32 s7, s2  }
0x1e: {  	s7 =	smul.u32 @!p0 $0xF7A, s2;
	p2 =	seq.s32 @!p0 s5, $0x0  }
0x1f: {  	s9 =	smul.u32 $0xF7A, s1;
	s8 =	simm.s32 @!p0 $0x1BF5;
	p2 =	por !p2, p0  }
0x20: {  	[sflag:s8] =	ssyncset.s32 @!p0 $0xFFFFF086;
	s6 =	sadd.s32 @!p0 s3, s7;
	s7 =	simm.s32 @!p0 $0x108  }
0x21: {  	s3 =	sadd.s32 s3, s9;
	s6 =	sadd.s32 @!p0 $0x88, s6;
	s7 =	simm.s32 @p2 $0x1082  }
0x22: {  	[simem:s7], [sflag:s8] =	dma.local @!p0 [hbm:s6], $0xF7A  }
0x23: {  	s9 =	sor.u32 $0xD0000000, s2;
	s6 =	simm.s32 $0x108;
	_ =	swait.ge @!p0 [sflag:s8], $0x0  }
0x24: {  	s3 =	sadd.s32 $0x88, s3;
	s6 =	simm.s32 @!p1 $0x1082;
	[sflag:s4] =	ssyncset.s32 $0xFFFFF086  }
0x25: {  	[simem:s6], [sflag:s4] =	dma.local [hbm:s3], $0xF7A  }
0x26: {  	[smem:$0x3F96] =	sst s1;
	(tag) =	ssettag s2;
	_ =	strace s9  }
0x27: {  	s1 =	sld [smem:$0x3FA6]  }
0x28: {  	s2 =	sld [smem:$0x3FA7]  }
0x29: {  	s4 =	sld [smem:$0x3FA9]  }
0x2a: {  	p0 =	seq.s32 s5, $0x0;
	s5 =	sld [smem:$0x3FAA]  }
0x2b: {  	s6 =	sld [smem:$0x3FAB]  }
0x2c: {  	s7 =	sld [smem:$0x3FAC]  }
0x2d: {  	s3 =	simm.s32 $0x108;
	s8 =	sld [smem:$0x3FAD]  }
0x2e: {  	s3 =	simm.s32 @!p0 $0x1082;
	s9 =	sld [smem:$0x3FAE]  }
0x2f: {  	lr =	sadd.s32 s0, s3;
	s0 =	sld [smem:$0x3FA5]  }
0x30: {  	s3 =	sld [smem:$0x3FA8]  }
0x31: {  	[smem:$0x3FB1] =	sst s10  }
0x32: {  	s10 =	sld [smem:$0x3FAF];
	_ =	sdelay $0x3  }
0x33: {  	p0 =	seq.s32 s10, $0x1;
	s10 =	sld [smem:$0x3FB1];
	_ =	sdelay $0x3  }
0x34: {  	[smem:$0x3FB1] =	sst s10  }
0x35: {  	s10 =	sld [smem:$0x3FB0];
	_ =	sdelay $0x3  }
0x36: {  	p1 =	seq.s32 s10, $0x1;
	s10 =	sld [smem:$0x3FB1];
	_ =	sdelay $0x3  }
0x37: {  	[smem:$0x3FB1] =	sst s10  }
0x38: {  	s10 =	sld [smem:$0x3FB2]  }
0x39: {  	_ = 	snop;
	(pc) =	sbr.ind lr, $3  }
0x3a: {  	_ = 	snop  }
0x3b: {  	_ = 	snop  }
0x3c: {  	p2 =	seq.s32 s10, $0x1;
	s10 =	sld [smem:$0x3FB1]  }
0x3d: {  	_ =	shalt  }
0x3e: {  	_ =	shalt  }
0x3f: {  	_ =	shalt  }
0x40: {  	_ =	shalt  }
0x41: {  	_ =	shalt  }
0x42: {  	_ =	shalt  }
0x43: {  	_ =	shalt  }
0x44: {  	_ =	shalt  }
0x45: {  	_ =	shalt  }
0x46: {  	_ =	shalt  }
0x47: {  	_ =	shalt  }
0x48: {  	_ =	shalt  }
0x49: {  	_ =	shalt  }
0x4a: {  	_ =	shalt  }
0x4b: {  	_ =	shalt  }
0x4c: {  	_ =	shalt  }
0x4d: {  	_ =	shalt  }
0x4e: {  	_ =	shalt  }
0x4f: {  	_ =	shalt  }
0x50: {  	_ =	shalt  }
0x51: {  	_ =	shalt  }
0x52: {  	_ =	shalt  }
0x53: {  	_ =	shalt  }
0x54: {  	_ =	shalt  }
0x55: {  	_ =	shalt  }
0x56: {  	_ =	shalt  }
0x57: {  	_ =	shalt  }
0x58: {  	_ =	shalt  }
0x59: {  	_ =	shalt  }
0x5a: {  	_ =	shalt  }
0x5b: {  	_ =	shalt  }
0x5c: {  	_ =	shalt  }
0x5d: {  	_ =	shalt  }
0x5e: {  	_ =	shalt  }
0x5f: {  	_ =	shalt  }
0x60: {  	_ =	shalt  }
0x61: {  	_ =	shalt  }
0x62: {  	_ =	shalt  }
0x63: {  	_ =	shalt  }
0x64: {  	_ =	shalt  }
0x65: {  	_ =	shalt  }
0x66: {  	_ =	shalt  }
0x67: {  	_ =	shalt  }
0x68: {  	_ =	shalt  }
0x69: {  	_ =	shalt  }
0x6a: {  	_ =	shalt  }
0x6b: {  	_ =	shalt  }
0x6c: {  	_ =	shalt  }
0x6d: {  	_ =	shalt  }
0x6e: {  	_ =	shalt  }
0x6f: {  	_ =	shalt  }
0x70: {  	_ =	shalt  }
0x71: {  	_ =	shalt  }
0x72: {  	_ =	shalt  }
0x73: {  	_ =	shalt  }
0x74: {  	_ =	shalt  }
0x75: {  	_ =	shalt  }
0x76: {  	_ =	shalt  }
0x77: {  	_ =	shalt  }
0x78: {  	_ =	shalt  }
0x79: {  	_ =	shalt  }
0x7a: {  	_ =	shalt  }
0x7b: {  	_ =	shalt  }
0x7c: {  	_ =	shalt  }
0x7d: {  	_ =	shalt  }
0x7e: {  	_ =	shalt  }
0x7f: {  	_ =	shalt  }
0x80: {  	_ =	shalt  }
0x81: {  	_ =	shalt  }
0x82: {  	_ =	shalt  }
0x83: {  	_ =	shalt  }
0x84: {  	_ =	shalt  }
0x85: {  	_ =	shalt  }
0x86: {  	_ =	shalt  }
0x87: {  	_ =	shalt  }
.Lfunc_end0:
.L_simem_size_0:
called_computation.2_lowered:
.L_overlay_start_0:
0x88: {  	s2 =	sld [smem:$0x3FD9]  }
0x89: {  	s3 =	sld [smem:$0x3FFE];
	_ =	sdelay $0x1  }
0x8a: {  	s1 =	srdreg.scid  }
0x8b: {  	s0 =	sand.u32 $0x1, s1  }
0x8c: {  	s17 =	sshll.u32 s0, $0xA;
	s2 =	sadd.s32 s3, s2  }
0x8d: {  	s2 =	sadd.s32 s2, s17  }
0x8e: {  	[smem:$0x3FBD] =	sst s2  }
0x8f: {  	_ = 	snop  }
0x90: {  	(tm) =	ssettm $0x1  }
0x91: {  	s18 =	sld [smem:$0x3FFB];
	_ =	sdelay $0x3  }
0x92: {  	_ =	strace s18  }
0x93: {  	s2 =	sld [smem:$0x3FFC];
	_ =	sdelay $0x3  }
0x94: {  	_ =	strace s2  }
0x95: {  	s2 =	sld [smem:$0x3FFD];
	_ =	sdelay $0x3  }
0x96: {  	_ =	strace s2  }
0x97: {  	_ =	strace $0x8FFFFFFF  }
0x98: {  	s19 =	sld [smem:$0x3FDB];
	_ =	sdelay $0x1  }
0x99: {  	s20 =	simm.s32 $_scs_section_size  }
0x9a: {  	s4 =	simm.s32 $_size__tile_overlayer_lowered;
	s5 =	simm.s32 $_tile_overlayer_lowered  }
0x9b: {  	s6 =	simm.s32 $0x1BFF;
	s21 =	sshll.u32 s5, $0x1;
	s3 =	sadd.s32 s20, s19  }
0x9c: {  	s22 =	simm.s32 $0x0;
	s4 =	sshll.u32 s4, $0x1;
	s5 =	sadd.s32 s21, s3  }
0x9d: {  	[timem:s22], [sflag:s6] =	dma.local [hbm:s5], s4  }
0x9e: {  	_ =	swait.ge [sflag:s6], s4  }
0x9f: {  	s4 =	ssub.s32 $0x0, s4;
	[sflag:s6] =	ssyncset.done $0x0  }
0xa0: {  	[sflag:s6] =	ssyncadd.s32 s4;
	_ =	sdelay $0x1  }
0xa1: {  	s23 =	simm.s32 $0x1B8B  }
0xa2: {  	_ =	swait.ge [sflag:s23], $0x1  }
0xa3: {  	[sflag:s23] =	ssyncset.done $0x0  }
0xa4: {  	[sflag:s23] =	ssyncadd.s32 $0xFFFFFFFF  }
0xa5: {  	s4 =	sld [smem:$0x0]  }
0xa6: {  	s5 =	sand.u32 $0xFFFFFFFE, s1  }
0xa7: {  	p0 =	sne.s32 s1, s5  }
0xa8: {  	s5 =	sshll.u32 @p0 s5, $0xE  }
0xa9: {  	s5 =	sadd.s32 @p0 $0x11B8D, s5;
	s6 =	sshll.u32 @p0 s4, $0x11  }
0xaa: {  	s5 =	sor.u32 @p0 s6, s5  }
0xab: {  	[sflag:s5] =	ssyncadd.remote.s32 @p0 $0x1;
	_ =	sdelay $0x1  }
0xac: {  	s5 =	simm.s32 @p0 $0x1B8D  }
0xad: {  	_ =	swait.eq @p0 [sflag:s5], $0x1  }
0xae: {  	[sflag:s5] =	ssyncadd.s32 @p0 $0xFFFFFFFF  }
0xaf: {  	s6 =	sshll.u32 @!p0 s1, $0xE  }
0xb0: {  	s6 =	sor.u32 @!p0 $0x4000, s6;
	s5 =	simm.s32 @!p0 $0x1B8D  }
0xb1: {  	s4 =	sshll.u32 @!p0 s4, $0x11;
	s6 =	sadd.s32 @!p0 $0x11B8D, s6;
	_ =	swait.eq @!p0 [sflag:s5], $0x1  }
0xb2: {  	s4 =	sor.u32 @!p0 s4, s6;
	[sflag:s5] =	ssyncadd.s32 @!p0 $0xFFFFFFFF  }
0xb3: {  	s25 =	simm.s32 $0x1B8E;
	s24 =	sld [smem:$0x3FFE];
	[sflag:s4] =	ssyncadd.remote.s32 @!p0 $0x1  }
0xb4: {  	s26 =	simm.s32 $execute0_lowered;
	[smem:$0x3FD2] =	sst s25  }
0xb5: {  	s5 =	sshll.u32 s26, $0x1;
	_ =	strace $0x8000004C;
	[dreg:$0x1] =	wrdreg $0xFFFFFFFF  }
0xb6: {  	s28 =	simm.s32 $_size_execute0_lowered;
	s3 =	sadd.s32 s3, s5;
	[dreg:$0x0] =	wrdreg $0x0  }
0xb7: {  	s5 =	sshll.u32 s28, $0x1;
	[dreg:$0x2] =	wrdreg s3  }
0xb8: {  	[dreg:$0x3] =	wrdreg s5  }
0xb9: {  	[dreg:$0x4] =	wrdreg $0xC0  }
0xba: {  	_ =	task [dreg:s22], $0x5FFFF  }
0xbb: {  	[dreg:$0x1] =	wrdreg $0xFFFFFFFF  }
0xbc: {  	[dreg:$0x0] =	wrdreg $0x60  }
0xbd: {  	[dreg:$0x2] =	wrdreg s24  }
0xbe: {  	[dreg:$0x3] =	wrdreg $0x41000  }
0xbf: {  	[dreg:$0x4] =	wrdreg $0xA  }
0xc0: {  	_ =	task.clear_ibuf [dreg:s22], $0x5FFFF;
	_ =	strace $0x9000004C  }
0xc1: {  	s29 =	simm.s32 $0xA;
	_ =	strace $0x8000004E  }
0xc2: {  	_ =	swait.ge [sflag:s29], $0x1  }
0xc3: {  	[sflag:s29] =	ssyncadd.s32 $0xFFFFFFFF  }
0xc4: {  	_ =	strace $0x9000004E  }
0xc5: {  	_ =	sfence  }
0xc6: {  	s30 =	sld [smem:$0x0];
	_ =	sdelay $0x2  }
0xc7: {  	s31 =	sshll.u32 s1, $0xD;
	s1 =	sshrl.u32 s1, $0x2  }
0xc8: {  	s4 =	sand.u32 $0x4000, s31;
	s1 =	sadd.s32 s1, s30  }
0xc9: {  	s0 =	sor.u32 s4, s0;
	s1 =	sshll.u32 s1, $0x11  }
0xca: {  	s0 =	sor.u32 s1, s0  }
0xcb: {  	s0 =	sadd.s32 $0x8F2B, s0  }
0xcc: {  	[sflag:s0] =	ssyncadd.remote.s32 $0x1  }
0xcd: {  	_ =	sfence.sel $0xFFFF  }
0xce: {  	[dreg:$0x0] =	wrdreg $0xFFFFFFFF;
	(pc) =	sbr.abs _section_cstart, $3  }
0xcf: {  	[dreg:$0x1] =	wrdreg $0xFFFFFFFF  }
0xd0: {  	_ =	task.clear_ibuf [dreg:s22], $0x2FFFF;
	_ =	strace $0x9FFFFFFF  }
0xd1: {  	(tm) =	ssettm $0x7FFFFFFF  }
tec
execute0_lowered:
.L_overlay_start_1:
0x0: {  	(tag) =	ssettag $0x1  }
0x1: {  	s5 =	rddreg [dreg:$0x0];
	s0 =	srdreg.scid  }
0x2: {  	s2 =	rddreg [dreg:$0x1];
	s1 =	stileid.u32  }
0x3: {  	s3 =	simm.s32 $0x0;
	s13 =	simm.s32 $0x80;
	s8 =	smul.u32 $0x14000, s1  }
0x4: {  	s14 =	simm.s32 $0x100;
	s15 =	simm.s32 $0x1;
	s26 =	smul.u32 $0x50000, s1  }
0x5: {  	s6 =	sand.u32 $0x1, s0;
	s0 =	rddreg [dreg:$0x2];
	s30 =	smul.u32 $0x500, s1  }
0x6: {  	s16 =	simm.s32 $0x0;
	[smem:$0x7FF] =	sst s3;
	s7 =	smul.u32 $0x5000, s6  }
0x7: {  	s4 =	sadd.s32 $0x64E00, s5;
	s31 =	sshll.u32 s1, $0x6;
	s9 =	smul.u32 $0x140000, s6  }
0x8: {  	_ =	strace $0x8000004D;
	s6 =	ssub.s32 $0x2, s6;
	s25 =	sshrl.u32 s8, $0x3  }
0x9: {  	s28 =	sshrl.u32 s6, $0x1;
	s29 =	sshrl.u32 s26, $0x2;
	s10 =	sadd.s32 s7, s5  }
0xa: {  	s8 =	sadd.s32 s8, s9;
	s7 =	sadd.s32 s25, s5;
	s11 =	ssub.s32 s6, s28  }
0xb: {  	s12 =	sadd.s32 s29, s2;
	s6 =	sor.u32 $0x1C02, s31;
	s8 =	sshrl.u32 s8, $0x3  }
0xc: {  	s10 =	sadd.s32 s30, s10;
	s8 =	sadd.s32 s8, s5;
	s5 =	sadd.s32 $0x14E00, s7  }
0xd: {  	s9 =	sadd.s32 $0xAE00, s10;
	s10 =	sadd.s32 $0xE00, s10;
	s7 =	sadd.s32 $0x104000, s8  }
0xe: {  	s8 =	smax.u32 s11, $0x1;
	s11 =	sshrl.u32 s12, $0x3;
	s12 =	simm.s32 $0x2  }
.LBB2_1:
0xf: {  	[spmem:s11], [sflag:s6] =	dma.local [hbm:s5], $0x2800  }
0x10: {  	_ =	swait.ge [sflag:s12], $0x2800  }
0x11: {  	[sflag:s12] =	ssyncset.done $0x0  }
0x12: {  	[sflag:s12] =	ssyncadd.s32 $0xFFFFD800  }
0x13: {  	s17 =	sadd.s32 $0x0, s10;
	[bflag:$0x0] =	sbarrier.arrive $0xFFFF  }
0x14: {  	[tilespmem:s3], [sflag:$0x2] =	stream.linear.gather [hbm4b:s17+s3], $0x80, $0x38;
	[tilespmem:$0x18100] =	vst v63  }
0x15: {  	_ =	swait.ge [sflag:s12], $0x80  }
0x16: {  	[sflag:s12] =	ssyncset.done $0x0  }
0x17: {  	s31 =	sadd.s32 $0x0, s9;
	[sflag:s12] =	ssyncadd.s32 $0xFFFFFF80  }
0x18: {  	[tilespmem:s13], [sflag:$0x2] =	stream.linear.gather [hbm4b:s31+s3], $0x80, $0x38;
	[tilespmem:$0x18100] =	vst v63  }
0x19: {  	_ =	swait.ge [sflag:s12], $0x80  }
0x1a: {  	[sflag:s12] =	ssyncset.done $0x0  }
0x1b: {  	[sflag:s12] =	ssyncadd.s32 $0xFFFFFF80  }
0x1c: {  	[tilespmem:s14], [sflag:$0x1] =	stream.indirect.gather [hbm4b:s4+s13], $0x80, s3, s13, $0xb8;
	[tilespmem:$0x18100] =	vst v63  }
0x1d: {  	_ =	swait.ge [sflag:s15], $0x4000  }
0x1e: {  	[sflag:s15] =	ssyncset.done $0x0  }
0x1f: {  	[sflag:s15] =	ssyncadd.s32 $0xFFFFC000  }
0x20: {  	[spmem:s2] =	stream.indirect.scatter.add.f32 [tilespmem:s14], [sflag:$0x2], $0x80, s13, s13, $0xb8;
	[tilespmem:$0x18100] =	vst v63  }
0x21: {  	_ =	swait.ge [sflag:s12], $0x4000  }
0x22: {  	s18 =	simm.s32 $0x20;
	s17 =	simm.s32 $0x10;
	[sflag:s12] =	ssyncset.done $0x0  }
.LBB2_2:
0x23: {  	s19 =	sadd.s32 s17, s10  }
0x24: {  	[sflag:s12] =	ssyncadd.s32 $0xFFFFC000;
	s20 =	smov.u32 s18;
	s21 =	sadd.s32 $0x10, s18  }
0x25: {  	[tilespmem:s3], [sflag:$0x2] =	stream.linear.gather [hbm4b:s19+s3], $0x80, $0x38;
	[tilespmem:$0x18100] =	vst v63  }
0x26: {  	p0 =	sne.s32 s18, $0x4F0;
	_ =	swait.ge [sflag:s12], $0x80  }
0x27: {  	[sflag:s12] =	ssyncset.done $0x0  }
0x28: {  	s18 =	sadd.s32 s17, s9;
	s17 =	smov.u32 s20;
	[sflag:s12] =	ssyncadd.s32 $0xFFFFFF80  }
0x29: {  	[tilespmem:s13], [sflag:$0x2] =	stream.linear.gather [hbm4b:s18+s3], $0x80, $0x38;
	[tilespmem:$0x18100] =	vst v63  }
0x2a: {  	_ =	swait.ge [sflag:s12], $0x80  }
0x2b: {  	[sflag:s12] =	ssyncset.done $0x0  }
0x2c: {  	[sflag:s12] =	ssyncadd.s32 $0xFFFFFF80  }
0x2d: {  	[tilespmem:s14], [sflag:$0x1] =	stream.indirect.gather [hbm4b:s4+s13], $0x80, s3, s13, $0xb8;
	[tilespmem:$0x18100] =	vst v63  }
0x2e: {  	_ =	swait.ge [sflag:s15], $0x4000  }
.Ltmp0:
0x2f: {  	[sflag:s15] =	ssyncset.done $0x0;
	(pc) =	sbr.rel @p0 .LBB2_2-.Ltmp0, $4  }
0x30: {  	[sflag:s15] =	ssyncadd.s32 $0xFFFFC000  }
0x31: {  	[spmem:s2] =	stream.indirect.scatter.add.f32 [tilespmem:s14], [sflag:$0x2], $0x80, s13, s13, $0xb8;
	[tilespmem:$0x18100] =	vst v63  }
0x32: {  	_ =	swait.ge [sflag:s12], $0x4000  }
0x33: {  	s18 =	smov.u32 s21;
	[sflag:s12] =	ssyncset.done $0x0  }
0x34: {  	s18 =	sadd.s32 s17, s10;
	[sflag:s12] =	ssyncadd.s32 $0xFFFFC000  }
0x35: {  	[tilespmem:s3], [sflag:$0x2] =	stream.linear.gather [hbm4b:s18+s3], $0x80, $0x38;
	[tilespmem:$0x18100] =	vst v63  }
0x36: {  	_ =	swait.ge [sflag:s12], $0x80  }
0x37: {  	[sflag:s12] =	ssyncset.done $0x0  }
0x38: {  	s31 =	sadd.s32 s17, s9;
	[sflag:s12] =	ssyncadd.s32 $0xFFFFFF80  }
0x39: {  	[tilespmem:s13], [sflag:$0x2] =	stream.linear.gather [hbm4b:s31+s3], $0x80, $0x38;
	[tilespmem:$0x18100] =	vst v63  }
0x3a: {  	_ =	swait.ge [sflag:s12], $0x80  }
0x3b: {  	[sflag:s12] =	ssyncset.done $0x0  }
0x3c: {  	[sflag:s12] =	ssyncadd.s32 $0xFFFFFF80  }
0x3d: {  	[tilespmem:s14], [sflag:$0x1] =	stream.indirect.gather [hbm4b:s4+s13], $0x80, s3, s13, $0xb8;
	[tilespmem:$0x18100] =	vst v63  }
0x3e: {  	_ =	swait.ge [sflag:s15], $0x4000  }
0x3f: {  	[sflag:s15] =	ssyncset.done $0x0  }
0x40: {  	[sflag:s15] =	ssyncadd.s32 $0xFFFFC000  }
0x41: {  	[spmem:s2] =	stream.indirect.scatter.add.f32 [tilespmem:s14], [sflag:$0x2], $0x80, s13, s13, $0xb8;
	[tilespmem:$0x18100] =	vst v63  }
0x42: {  	_ =	swait.ge [sflag:s12], $0x4000  }
0x43: {  	s16 =	sadd.s32 $0x1, s16;
	[sflag:s12] =	ssyncset.done $0x0  }
0x44: {  	p0 =	sne.s32 s16, s8;
	[sflag:s12] =	ssyncadd.s32 $0xFFFFC000  }
.Ltmp1:
0x45: {  	[bflag:$0x0] =	sbarrier.arrive $0xFFFF;
	(pc) =	sbr.rel @p0 .LBB2_1-.Ltmp1, $4  }
0x46: {  	[hbm:s7], [sflag:s6] =	dma.local [spmem:s11], $0x2800  }
0x47: {  	_ =	swait.ge [sflag:s12], $0x2800  }
0x48: {  	[sflag:s12] =	ssyncset.done $0x0  }
0x49: {  	[sflag:s12] =	ssyncadd.s32 $0xFFFFD800  }
0x4a: {  	_ =	sfence.sel $0x180000  }
0x4b: {  	[bflag:$0x0] =	sbarrier.arrive $0xFFFF  }
0x4c: {  	p0 =	sne.s32 s1, $0x0;
	_ =	strace $0x9000004D  }
0x4d: {  	s0 =	sadd.s32 @!p0 $0x100000, s0;
	[bflag:$0x2] =	sbarrier.arrive $0xFFFF  }
0x4e: {  	[sflag:s0] =	ssyncadd.tile.s32 @!p0 $0x1;
	_ =	shalt  }
.Lfunc_end2:
_tile_overlayer_lowered:
.L_overlay_start_2:
0x4f: {  	(tag) =	ssettag $0x2  }
0x50: {  	s0 =	rddreg [dreg:$0x0];
	s2 =	stileid.u32  }
0x51: {  	s1 =	rddreg [dreg:$0x1];
	p0 =	sne.s32 s2, $0x0  }
0x52: {  	s3 =	rddreg [dreg:$0x2];
	[bflag:$0x3] =	sbarrier.arrive $0xFFFF;
	s2 =	simm.s32 @!p0 $0x1C02  }
0x53: {  	[timem:s3], [sflag:s2] =	dma.local @!p0 [hbm:s0], s1  }
0x54: {  	s0 =	simm.s32 @!p0 $0x2  }
0x55: {  	_ =	swait.ge @!p0 [sflag:s0], s1  }
0x56: {  	s1 =	ssub.s32 @!p0 $0x0, s1;
	[sflag:s0] =	ssyncset.done @!p0 $0x0  }
0x57: {  	[sflag:s0] =	ssyncadd.s32 @!p0 s1  }
0x58: {  	[bflag:$0x3] =	sbarrier.arrive $0xFFFF  }
0x59: {  	_ =	shalt  }

// kernel: kernel.18.cloned.1.call-start
scs
__scs_entry_jumppad:
0x0: {  	(pc) =	sbr.rel $0x88, $3  }
0x1: {  	(tag) =	ssettag $0x0;
	lr =	simm.s32 $0x1  }
0x2: {  	[smem:$0x3F96] =	sst lr;
	_ =	strace $0xD0000000  }
0x3: {  	_ = 	snop  }
0x4: {  	_ = 	snop  }
0x5: {  	_ = 	snop  }
0x6: {  	_ = 	snop  }
0x7: {  	_ = 	snop  }
__scs_overlays_trampoline_lowered:
0x8: {  	[smem:$0x3FA5] =	sst s0  }
0x9: {  	[smem:$0x3FA6] =	sst s1  }
0xa: {  	[smem:$0x3FA7] =	sst s2  }
0xb: {  	[smem:$0x3FA8] =	sst s3  }
0xc: {  	[smem:$0x3FA9] =	sst s4  }
0xd: {  	[smem:$0x3FAA] =	sst s5  }
0xe: {  	[smem:$0x3FAB] =	sst s6  }
0xf: {  	[smem:$0x3FAC] =	sst s7  }
0x10: {  	[smem:$0x3FAD] =	sst s8  }
0x11: {  	[smem:$0x3FAE] =	sst s9;
	s0 =	simm.s32 @!p0 $0x0  }
0x12: {  	s1 =	sld [smem:$0x3F94];
	s0 =	simm.s32 @p0 $0x1  }
0x13: {  	[smem:$0x3FAF] =	sst s0;
	s0 =	simm.s32 @!p1 $0x0  }
0x14: {  	s2 =	sld [smem:$0x3F93];
	s0 =	simm.s32 @p1 $0x1  }
0x15: {  	[smem:$0x3FB0] =	sst s0;
	s0 =	simm.s32 @!p2 $0x0  }
0x16: {  	s3 =	sld [smem:$0x3FDB];
	s0 =	simm.s32 @p2 $0x1  }
0x17: {  	s4 =	simm.s32 $0x1BF5;
	[smem:$0x3FB2] =	sst s0  }
0x18: {  	s0 =	sld [smem:$0x3F95];
	_ =	swait.ge [sflag:s4], $0x0  }
0x19: {  	s7 =	sld [smem:$0x3F96]  }
0x1a: {  	s8 =	sadd.s32 $0xFFFFE003, lr  }
0x1b: {  	s9 =	sadd.s32 $0xFFFFFEF7, lr;
	s5 =	simm.s32 $0xFFFFFFFF;
	p2 =	slt.u32 s8, $0xFFFFF086  }
0x1c: {  	p1 =	slt.u32 s9, $0xF7A;
	s5 =	simm.s32 @!p2 $0x0  }
0x1d: {  	s5 =	simm.s32 @p1 $0x1;
	p0 =	seq.s32 s7, s2  }
0x1e: {  	s7 =	smul.u32 @!p0 $0xF7A, s2;
	p2 =	seq.s32 @!p0 s5, $0x0  }
0x1f: {  	s9 =	smul.u32 $0xF7A, s1;
	s8 =	simm.s32 @!p0 $0x1BF5;
	p2 =	por !p2, p0  }
0x20: {  	[sflag:s8] =	ssyncset.s32 @!p0 $0xFFFFF086;
	s6 =	sadd.s32 @!p0 s3, s7;
	s7 =	simm.s32 @!p0 $0x108  }
0x21: {  	s3 =	sadd.s32 s3, s9;
	s6 =	sadd.s32 @!p0 $0x88, s6;
	s7 =	simm.s32 @p2 $0x1082  }
0x22: {  	[simem:s7], [sflag:s8] =	dma.local @!p0 [hbm:s6], $0xF7A  }
0x23: {  	s9 =	sor.u32 $0xD0000000, s2;
	s6 =	simm.s32 $0x108;
	_ =	swait.ge @!p0 [sflag:s8], $0x0  }
0x24: {  	s3 =	sadd.s32 $0x88, s3;
	s6 =	simm.s32 @!p1 $0x1082;
	[sflag:s4] =	ssyncset.s32 $0xFFFFF086  }
0x25: {  	[simem:s6], [sflag:s4] =	dma.local [hbm:s3], $0xF7A  }
0x26: {  	[smem:$0x3F96] =	sst s1;
	(tag) =	ssettag s2;
	_ =	strace s9  }
0x27: {  	s1 =	sld [smem:$0x3FA6]  }
0x28: {  	s2 =	sld [smem:$0x3FA7]  }
0x29: {  	s4 =	sld [smem:$0x3FA9]  }
0x2a: {  	p0 =	seq.s32 s5, $0x0;
	s5 =	sld [smem:$0x3FAA]  }
0x2b: {  	s6 =	sld [smem:$0x3FAB]  }
0x2c: {  	s7 =	sld [smem:$0x3FAC]  }
0x2d: {  	s3 =	simm.s32 $0x108;
	s8 =	sld [smem:$0x3FAD]  }
0x2e: {  	s3 =	simm.s32 @!p0 $0x1082;
	s9 =	sld [smem:$0x3FAE]  }
0x2f: {  	lr =	sadd.s32 s0, s3;
	s0 =	sld [smem:$0x3FA5]  }
0x30: {  	s3 =	sld [smem:$0x3FA8]  }
0x31: {  	[smem:$0x3FB1] =	sst s10  }
0x32: {  	s10 =	sld [smem:$0x3FAF];
	_ =	sdelay $0x3  }
0x33: {  	p0 =	seq.s32 s10, $0x1;
	s10 =	sld [smem:$0x3FB1];
	_ =	sdelay $0x3  }
0x34: {  	[smem:$0x3FB1] =	sst s10  }
0x35: {  	s10 =	sld [smem:$0x3FB0];
	_ =	sdelay $0x3  }
0x36: {  	p1 =	seq.s32 s10, $0x1;
	s10 =	sld [smem:$0x3FB1];
	_ =	sdelay $0x3  }
0x37: {  	[smem:$0x3FB1] =	sst s10  }
0x38: {  	s10 =	sld [smem:$0x3FB2]  }
0x39: {  	_ = 	snop;
	(pc) =	sbr.ind lr, $3  }
0x3a: {  	_ = 	snop  }
0x3b: {  	_ = 	snop  }
0x3c: {  	p2 =	seq.s32 s10, $0x1;
	s10 =	sld [smem:$0x3FB1]  }
0x3d: {  	_ =	shalt  }
0x3e: {  	_ =	shalt  }
0x3f: {  	_ =	shalt  }
0x40: {  	_ =	shalt  }
0x41: {  	_ =	shalt  }
0x42: {  	_ =	shalt  }
0x43: {  	_ =	shalt  }
0x44: {  	_ =	shalt  }
0x45: {  	_ =	shalt  }
0x46: {  	_ =	shalt  }
0x47: {  	_ =	shalt  }
0x48: {  	_ =	shalt  }
0x49: {  	_ =	shalt  }
0x4a: {  	_ =	shalt  }
0x4b: {  	_ =	shalt  }
0x4c: {  	_ =	shalt  }
0x4d: {  	_ =	shalt  }
0x4e: {  	_ =	shalt  }
0x4f: {  	_ =	shalt  }
0x50: {  	_ =	shalt  }
0x51: {  	_ =	shalt  }
0x52: {  	_ =	shalt  }
0x53: {  	_ =	shalt  }
0x54: {  	_ =	shalt  }
0x55: {  	_ =	shalt  }
0x56: {  	_ =	shalt  }
0x57: {  	_ =	shalt  }
0x58: {  	_ =	shalt  }
0x59: {  	_ =	shalt  }
0x5a: {  	_ =	shalt  }
0x5b: {  	_ =	shalt  }
0x5c: {  	_ =	shalt  }
0x5d: {  	_ =	shalt  }
0x5e: {  	_ =	shalt  }
0x5f: {  	_ =	shalt  }
0x60: {  	_ =	shalt  }
0x61: {  	_ =	shalt  }
0x62: {  	_ =	shalt  }
0x63: {  	_ =	shalt  }
0x64: {  	_ =	shalt  }
0x65: {  	_ =	shalt  }
0x66: {  	_ =	shalt  }
0x67: {  	_ =	shalt  }
0x68: {  	_ =	shalt  }
0x69: {  	_ =	shalt  }
0x6a: {  	_ =	shalt  }
0x6b: {  	_ =	shalt  }
0x6c: {  	_ =	shalt  }
0x6d: {  	_ =	shalt  }
0x6e: {  	_ =	shalt  }
0x6f: {  	_ =	shalt  }
0x70: {  	_ =	shalt  }
0x71: {  	_ =	shalt  }
0x72: {  	_ =	shalt  }
0x73: {  	_ =	shalt  }
0x74: {  	_ =	shalt  }
0x75: {  	_ =	shalt  }
0x76: {  	_ =	shalt  }
0x77: {  	_ =	shalt  }
0x78: {  	_ =	shalt  }
0x79: {  	_ =	shalt  }
0x7a: {  	_ =	shalt  }
0x7b: {  	_ =	shalt  }
0x7c: {  	_ =	shalt  }
0x7d: {  	_ =	shalt  }
0x7e: {  	_ =	shalt  }
0x7f: {  	_ =	shalt  }
0x80: {  	_ =	shalt  }
0x81: {  	_ =	shalt  }
0x82: {  	_ =	shalt  }
0x83: {  	_ =	shalt  }
0x84: {  	_ =	shalt  }
0x85: {  	_ =	shalt  }
0x86: {  	_ =	shalt  }
0x87: {  	_ =	shalt  }
.Lfunc_end0:
.L_simem_size_0:
called_computation.3_lowered:
.L_overlay_start_0:
0x88: {  	s2 =	sld [smem:$0x3FD9]  }
0x89: {  	s3 =	sld [smem:$0x3FFE];
	_ =	sdelay $0x1  }
0x8a: {  	s1 =	srdreg.scid  }
0x8b: {  	s0 =	sand.u32 $0x1, s1  }
0x8c: {  	s16 =	sshll.u32 s0, $0xA;
	s2 =	sadd.s32 s3, s2  }
0x8d: {  	s2 =	sadd.s32 s2, s16  }
0x8e: {  	[smem:$0x3FBD] =	sst s2  }
0x8f: {  	_ = 	snop  }
0x90: {  	(tm) =	ssettm $0x1  }
0x91: {  	s17 =	sld [smem:$0x3FFB];
	_ =	sdelay $0x3  }
0x92: {  	_ =	strace s17  }
0x93: {  	s2 =	sld [smem:$0x3FFC];
	_ =	sdelay $0x3  }
0x94: {  	_ =	strace s2  }
0x95: {  	s2 =	sld [smem:$0x3FFD];
	_ =	sdelay $0x3  }
0x96: {  	_ =	strace s2  }
0x97: {  	_ =	strace $0x8FFFFFFF  }
0x98: {  	s18 =	sld [smem:$0x3FDB];
	_ =	sdelay $0x1  }
0x99: {  	s19 =	simm.s32 $_scs_section_size  }
0x9a: {  	s4 =	simm.s32 $_size__tile_overlayer_lowered;
	s5 =	simm.s32 $_tile_overlayer_lowered  }
0x9b: {  	s22 =	simm.s32 $0x1BFF;
	s21 =	sshll.u32 s5, $0x1;
	s2 =	sadd.s32 s19, s18  }
0x9c: {  	s6 =	simm.s32 $0x0;
	s20 =	sshll.u32 s4, $0x1;
	s4 =	sadd.s32 s21, s2  }
0x9d: {  	[timem:s6], [sflag:s22] =	dma.local [hbm:s4], s20  }
0x9e: {  	_ =	swait.ge [sflag:s22], s20  }
0x9f: {  	s3 =	ssub.s32 $0x0, s20;
	[sflag:s22] =	ssyncset.done $0x0  }
0xa0: {  	[sflag:s22] =	ssyncadd.s32 s3;
	_ =	sdelay $0x1  }
0xa1: {  	s23 =	simm.s32 $0x1B8B  }
0xa2: {  	_ =	swait.ge [sflag:s23], $0x1  }
0xa3: {  	[sflag:s23] =	ssyncset.done $0x0  }
0xa4: {  	s25 =	simm.s32 $0x1B8E;
	s24 =	sld [smem:$0x3FFE];
	[sflag:s23] =	ssyncadd.s32 $0xFFFFFFFF  }
0xa5: {  	s26 =	simm.s32 $execute0_lowered;
	[smem:$0x3FD2] =	sst s25  }
0xa6: {  	s4 =	sshll.u32 s26, $0x1;
	_ =	strace $0x8000004F;
	[dreg:$0x1] =	wrdreg $0xFFFFFFFF  }
0xa7: {  	s28 =	simm.s32 $_size_execute0_lowered;
	s2 =	sadd.s32 s2, s4;
	[dreg:$0x0] =	wrdreg $0x0  }
0xa8: {  	s4 =	sshll.u32 s28, $0x1;
	[dreg:$0x2] =	wrdreg s2  }
0xa9: {  	[dreg:$0x3] =	wrdreg s4  }
0xaa: {  	[dreg:$0x4] =	wrdreg $0xC0  }
0xab: {  	_ =	task [dreg:s6], $0x5FFFF  }
0xac: {  	[dreg:$0x1] =	wrdreg $0xFFFFFFFF  }
0xad: {  	[dreg:$0x0] =	wrdreg $0x60  }
0xae: {  	[dreg:$0x2] =	wrdreg s24  }
0xaf: {  	[dreg:$0x3] =	wrdreg $0x41000  }
0xb0: {  	[dreg:$0x4] =	wrdreg $0x9  }
0xb1: {  	_ =	task.clear_ibuf [dreg:s6], $0x5FFFF;
	_ =	strace $0x9000004F  }
0xb2: {  	s29 =	simm.s32 $0x9;
	_ =	strace $0x80000051  }
0xb3: {  	_ =	swait.ge [sflag:s29], $0x1  }
0xb4: {  	[sflag:s29] =	ssyncadd.s32 $0xFFFFFFFF  }
0xb5: {  	_ =	strace $0x90000051  }
0xb6: {  	_ =	sfence  }
0xb7: {  	s30 =	sld [smem:$0x0];
	_ =	sdelay $0x2  }
0xb8: {  	s31 =	sshll.u32 s1, $0xD;
	s1 =	sshrl.u32 s1, $0x2  }
0xb9: {  	s3 =	sand.u32 $0x4000, s31;
	s1 =	sadd.s32 s1, s30  }
0xba: {  	s0 =	sor.u32 s3, s0;
	s1 =	sshll.u32 s1, $0x11  }
0xbb: {  	s0 =	sor.u32 s1, s0  }
0xbc: {  	s0 =	sadd.s32 $0x8F2B, s0  }
0xbd: {  	[sflag:s0] =	ssyncadd.remote.s32 $0x1  }
0xbe: {  	_ =	sfence.sel $0xFFFF  }
0xbf: {  	[dreg:$0x0] =	wrdreg $0xFFFFFFFF;
	(pc) =	sbr.abs _section_cstart, $3  }
0xc0: {  	[dreg:$0x1] =	wrdreg $0xFFFFFFFF  }
0xc1: {  	_ =	task.clear_ibuf [dreg:s6], $0x2FFFF;
	_ =	strace $0x9FFFFFFF  }
0xc2: {  	(tm) =	ssettm $0x7FFFFFFF  }
0xc3: {  	_ =	shalt  }
tec
execute0_lowered:
.L_overlay_start_1:
0x0: {  	(tag) =	ssettag $0x1  }
0x1: {  	s5 =	rddreg [dreg:$0x0];
	s0 =	srdreg.scid  }
0x2: {  	s2 =	rddreg [dreg:$0x1];
	s1 =	stileid.u32  }
0x3: {  	s3 =	simm.s32 $0x0;
	s13 =	simm.s32 $0x80;
	s8 =	smul.u32 $0x14000, s1  }
0x4: {  	s14 =	simm.s32 $0x100;
	s15 =	simm.s32 $0x1;
	s26 =	smul.u32 $0x50000, s1  }
0x5: {  	s6 =	sand.u32 $0x1, s0;
	s0 =	rddreg [dreg:$0x2];
	s30 =	smul.u32 $0x500, s1  }
0x6: {  	s16 =	simm.s32 $0x0;
	[smem:$0x7FF] =	sst s3;
	s7 =	smul.u32 $0x5000, s6  }
0x7: {  	s4 =	sadd.s32 $0x154000, s5;
	s31 =	sshll.u32 s1, $0x6;
	s9 =	smul.u32 $0x140000, s6  }
0x8: {  	_ =	strace $0x80000050;
	s6 =	ssub.s32 $0x2, s6;
	s25 =	sshrl.u32 s8, $0x3  }
0x9: {  	s28 =	sshrl.u32 s6, $0x1;
	s29 =	sshrl.u32 s26, $0x2;
	s10 =	sadd.s32 s7, s5  }
0xa: {  	s8 =	sadd.s32 s8, s9;
	s7 =	sadd.s32 s25, s5;
	s11 =	ssub.s32 s6, s28  }
0xb: {  	s12 =	sadd.s32 s29, s2;
	s6 =	sor.u32 $0x1C02, s31;
	s8 =	sshrl.u32 s8, $0x3  }
0xc: {  	s10 =	sadd.s32 s30, s10;
	s8 =	sadd.s32 s8, s5;
	s5 =	sadd.s32 $0x14E00, s7  }
0xd: {  	s9 =	sadd.s32 $0xAE00, s10;
	s10 =	sadd.s32 $0xE00, s10;
	s7 =	sadd.s32 $0xB4000, s8  }
0xe: {  	s8 =	smax.u32 s11, $0x1;
	s11 =	sshrl.u32 s12, $0x3;
	s12 =	simm.s32 $0x2  }
.LBB2_1:
0xf: {  	[spmem:s11], [sflag:s6] =	dma.local [hbm:s5], $0x2800  }
0x10: {  	_ =	swait.ge [sflag:s12], $0x2800  }
0x11: {  	[sflag:s12] =	ssyncset.done $0x0  }
0x12: {  	[sflag:s12] =	ssyncadd.s32 $0xFFFFD800  }
0x13: {  	s17 =	sadd.s32 $0x0, s10;
	[bflag:$0x0] =	sbarrier.arrive $0xFFFF  }
0x14: {  	[tilespmem:s3], [sflag:$0x2] =	stream.linear.gather [hbm4b:s17+s3], $0x80, $0x38;
	[tilespmem:$0x18100] =	vst v63  }
0x15: {  	_ =	swait.ge [sflag:s12], $0x80  }
0x16: {  	[sflag:s12] =	ssyncset.done $0x0  }
0x17: {  	s31 =	sadd.s32 $0x0, s9;
	[sflag:s12] =	ssyncadd.s32 $0xFFFFFF80  }
0x18: {  	[tilespmem:s13], [sflag:$0x2] =	stream.linear.gather [hbm4b:s31+s3], $0x80, $0x38;
	[tilespmem:$0x18100] =	vst v63  }
0x19: {  	_ =	swait.ge [sflag:s12], $0x80  }
0x1a: {  	[sflag:s12] =	ssyncset.done $0x0  }
0x1b: {  	[sflag:s12] =	ssyncadd.s32 $0xFFFFFF80  }
0x1c: {  	[tilespmem:s14], [sflag:$0x1] =	stream.indirect.gather [hbm4b:s4+s13], $0x80, s3, s13, $0xb8;
	[tilespmem:$0x18100] =	vst v63  }
0x1d: {  	_ =	swait.ge [sflag:s15], $0x4000  }
0x1e: {  	[sflag:s15] =	ssyncset.done $0x0  }
0x1f: {  	[sflag:s15] =	ssyncadd.s32 $0xFFFFC000  }
0x20: {  	[spmem:s2] =	stream.indirect.scatter.add.f32 [tilespmem:s14], [sflag:$0x2], $0x80, s13, s13, $0xb8;
	[tilespmem:$0x18100] =	vst v63  }
0x21: {  	_ =	swait.ge [sflag:s12], $0x4000  }
0x22: {  	s18 =	simm.s32 $0x20;
	s17 =	simm.s32 $0x10;
	[sflag:s12] =	ssyncset.done $0x0  }
.LBB2_2:
0x23: {  	s19 =	sadd.s32 s17, s10  }
0x24: {  	[sflag:s12] =	ssyncadd.s32 $0xFFFFC000;
	s20 =	smov.u32 s18;
	s21 =	sadd.s32 $0x10, s18  }
0x25: {  	[tilespmem:s3], [sflag:$0x2] =	stream.linear.gather [hbm4b:s19+s3], $0x80, $0x38;
	[tilespmem:$0x18100] =	vst v63  }
0x26: {  	p0 =	sne.s32 s18, $0x4F0;
	_ =	swait.ge [sflag:s12], $0x80  }
0x27: {  	[sflag:s12] =	ssyncset.done $0x0  }
0x28: {  	s18 =	sadd.s32 s17, s9;
	s17 =	smov.u32 s20;
	[sflag:s12] =	ssyncadd.s32 $0xFFFFFF80  }
0x29: {  	[tilespmem:s13], [sflag:$0x2] =	stream.linear.gather [hbm4b:s18+s3], $0x80, $0x38;
	[tilespmem:$0x18100] =	vst v63  }
0x2a: {  	_ =	swait.ge [sflag:s12], $0x80  }
0x2b: {  	[sflag:s12] =	ssyncset.done $0x0  }
0x2c: {  	[sflag:s12] =	ssyncadd.s32 $0xFFFFFF80  }
0x2d: {  	[tilespmem:s14], [sflag:$0x1] =	stream.indirect.gather [hbm4b:s4+s13], $0x80, s3, s13, $0xb8;
	[tilespmem:$0x18100] =	vst v63  }
0x2e: {  	_ =	swait.ge [sflag:s15], $0x4000  }
.Ltmp0:
0x2f: {  	[sflag:s15] =	ssyncset.done $0x0;
	(pc) =	sbr.rel @p0 .LBB2_2-.Ltmp0, $4  }
0x30: {  	[sflag:s15] =	ssyncadd.s32 $0xFFFFC000  }
0x31: {  	[spmem:s2] =	stream.indirect.scatter.add.f32 [tilespmem:s14], [sflag:$0x2], $0x80, s13, s13, $0xb8;
	[tilespmem:$0x18100] =	vst v63  }
0x32: {  	_ =	swait.ge [sflag:s12], $0x4000  }
0x33: {  	s18 =	smov.u32 s21;
	[sflag:s12] =	ssyncset.done $0x0  }
0x34: {  	s18 =	sadd.s32 s17, s10;
	[sflag:s12] =	ssyncadd.s32 $0xFFFFC000  }
0x35: {  	[tilespmem:s3], [sflag:$0x2] =	stream.linear.gather [hbm4b:s18+s3], $0x80, $0x38;
	[tilespmem:$0x18100] =	vst v63  }
0x36: {  	_ =	swait.ge [sflag:s12], $0x80  }
0x37: {  	[sflag:s12] =	ssyncset.done $0x0  }
0x38: {  	s31 =	sadd.s32 s17, s9;
	[sflag:s12] =	ssyncadd.s32 $0xFFFFFF80  }
0x39: {  	[tilespmem:s13], [sflag:$0x2] =	stream.linear.gather [hbm4b:s31+s3], $0x80, $0x38;
	[tilespmem:$0x18100] =	vst v63  }
0x3a: {  	_ =	swait.ge [sflag:s12], $0x80  }
0x3b: {  	[sflag:s12] =	ssyncset.done $0x0  }
0x3c: {  	[sflag:s12] =	ssyncadd.s32 $0xFFFFFF80  }
0x3d: {  	[tilespmem:s14], [sflag:$0x1] =	stream.indirect.gather [hbm4b:s4+s13], $0x80, s3, s13, $0xb8;
	[tilespmem:$0x18100] =	vst v63  }
0x3e: {  	_ =	swait.ge [sflag:s15], $0x4000  }
0x3f: {  	[sflag:s15] =	ssyncset.done $0x0  }
0x40: {  	[sflag:s15] =	ssyncadd.s32 $0xFFFFC000  }
0x41: {  	[spmem:s2] =	stream.indirect.scatter.add.f32 [tilespmem:s14], [sflag:$0x2], $0x80, s13, s13, $0xb8;
	[tilespmem:$0x18100] =	vst v63  }
0x42: {  	_ =	swait.ge [sflag:s12], $0x4000  }
0x43: {  	s16 =	sadd.s32 $0x1, s16;
	[sflag:s12] =	ssyncset.done $0x0  }
0x44: {  	p0 =	sne.s32 s16, s8;
	[sflag:s12] =	ssyncadd.s32 $0xFFFFC000  }
.Ltmp1:
0x45: {  	[bflag:$0x0] =	sbarrier.arrive $0xFFFF;
	(pc) =	sbr.rel @p0 .LBB2_1-.Ltmp1, $4  }
0x46: {  	[hbm:s7], [sflag:s6] =	dma.local [spmem:s11], $0x2800  }
0x47: {  	_ =	swait.ge [sflag:s12], $0x2800  }
0x48: {  	[sflag:s12] =	ssyncset.done $0x0  }
0x49: {  	[sflag:s12] =	ssyncadd.s32 $0xFFFFD800  }
0x4a: {  	_ =	sfence.sel $0x180000  }
0x4b: {  	[bflag:$0x0] =	sbarrier.arrive $0xFFFF  }
0x4c: {  	p0 =	sne.s32 s1, $0x0;
	_ =	strace $0x90000050  }
0x4d: {  	s0 =	sadd.s32 @!p0 $0x100000, s0;
	[bflag:$0x2] =	sbarrier.arrive $0xFFFF  }
0x4e: {  	[sflag:s0] =	ssyncadd.tile.s32 @!p0 $0x1;
	_ =	shalt  }
.Lfunc_end2:
_tile_overlayer_lowered:
.L_overlay_start_2:
0x4f: {  	(tag) =	ssettag $0x2  }
0x50: {  	s0 =	rddreg [dreg:$0x0];
	s2 =	stileid.u32  }
0x51: {  	s1 =	rddreg [dreg:$0x1];
	p0 =	sne.s32 s2, $0x0  }
0x52: {  	s3 =	rddreg [dreg:$0x2];
	[bflag:$0x3] =	sbarrier.arrive $0xFFFF;
	s2 =	simm.s32 @!p0 $0x1C02  }
0x53: {  	[timem:s3], [sflag:s2] =	dma.local @!p0 [hbm:s0], s1  }
0x54: {  	s0 =	simm.s32 @!p0 $0x2  }
0x55: {  	_ =	swait.ge @!p0 [sflag:s0], s1  }
0x56: {  	s1 =	ssub.s32 @!p0 $0x0, s1;
	[sflag:s0] =	ssyncset.done @!p0 $0x0  }
0x57: {  	[sflag:s0] =	ssyncadd.s32 @!p0 s1  }
0x58: {  	[bflag:$0x3] =	sbarrier.arrive $0xFFFF  }
0x59: {  	_ =	shalt  }

// kernel: kernel.9.cloned.1.call-start
scs
__scs_entry_jumppad:
0x0: {  	(pc) =	sbr.rel $0x88, $3  }
0x1: {  	(tag) =	ssettag $0x0;
	lr =	simm.s32 $0x1  }
0x2: {  	[smem:$0x3F96] =	sst lr;
	_ =	strace $0xD0000000  }
0x3: {  	_ = 	snop  }
0x4: {  	_ = 	snop  }
0x5: {  	_ = 	snop  }
0x6: {  	_ = 	snop  }
0x7: {  	_ = 	snop  }
__scs_overlays_trampoline_lowered:
0x8: {  	[smem:$0x3FA5] =	sst s0  }
0x9: {  	[smem:$0x3FA6] =	sst s1  }
0xa: {  	[smem:$0x3FA7] =	sst s2  }
0xb: {  	[smem:$0x3FA8] =	sst s3  }
0xc: {  	[smem:$0x3FA9] =	sst s4  }
0xd: {  	[smem:$0x3FAA] =	sst s5  }
0xe: {  	[smem:$0x3FAB] =	sst s6  }
0xf: {  	[smem:$0x3FAC] =	sst s7  }
0x10: {  	[smem:$0x3FAD] =	sst s8  }
0x11: {  	[smem:$0x3FAE] =	sst s9;
	s0 =	simm.s32 @!p0 $0x0  }
0x12: {  	s1 =	sld [smem:$0x3F94];
	s0 =	simm.s32 @p0 $0x1  }
0x13: {  	[smem:$0x3FAF] =	sst s0;
	s0 =	simm.s32 @!p1 $0x0  }
0x14: {  	s2 =	sld [smem:$0x3F93];
	s0 =	simm.s32 @p1 $0x1  }
0x15: {  	[smem:$0x3FB0] =	sst s0;
	s0 =	simm.s32 @!p2 $0x0  }
0x16: {  	s3 =	sld [smem:$0x3FDB];
	s0 =	simm.s32 @p2 $0x1  }
0x17: {  	s4 =	simm.s32 $0x1BF5;
	[smem:$0x3FB2] =	sst s0  }
0x18: {  	s0 =	sld [smem:$0x3F95];
	_ =	swait.ge [sflag:s4], $0x0  }
0x19: {  	s7 =	sld [smem:$0x3F96]  }
0x1a: {  	s8 =	sadd.s32 $0xFFFFE003, lr  }
0x1b: {  	s9 =	sadd.s32 $0xFFFFFEF7, lr;
	s5 =	simm.s32 $0xFFFFFFFF;
	p2 =	slt.u32 s8, $0xFFFFF086  }
0x1c: {  	p1 =	slt.u32 s9, $0xF7A;
	s5 =	simm.s32 @!p2 $0x0  }
0x1d: {  	s5 =	simm.s32 @p1 $0x1;
	p0 =	seq.s32 s7, s2  }
0x1e: {  	s7 =	smul.u32 @!p0 $0xF7A, s2;
	p2 =	seq.s32 @!p0 s5, $0x0  }
0x1f: {  	s9 =	smul.u32 $0xF7A, s1;
	s8 =	simm.s32 @!p0 $0x1BF5;
	p2 =	por !p2, p0  }
0x20: {  	[sflag:s8] =	ssyncset.s32 @!p0 $0xFFFFF086;
	s6 =	sadd.s32 @!p0 s3, s7;
	s7 =	simm.s32 @!p0 $0x108  }
0x21: {  	s3 =	sadd.s32 s3, s9;
	s6 =	sadd.s32 @!p0 $0x88, s6;
	s7 =	simm.s32 @p2 $0x1082  }
0x22: {  	[simem:s7], [sflag:s8] =	dma.local @!p0 [hbm:s6], $0xF7A  }
0x23: {  	s9 =	sor.u32 $0xD0000000, s2;
	s6 =	simm.s32 $0x108;
	_ =	swait.ge @!p0 [sflag:s8], $0x0  }
0x24: {  	s3 =	sadd.s32 $0x88, s3;
	s6 =	simm.s32 @!p1 $0x1082;
	[sflag:s4] =	ssyncset.s32 $0xFFFFF086  }
0x25: {  	[simem:s6], [sflag:s4] =	dma.local [hbm:s3], $0xF7A  }
0x26: {  	[smem:$0x3F96] =	sst s1;
	(tag) =	ssettag s2;
	_ =	strace s9  }
0x27: {  	s1 =	sld [smem:$0x3FA6]  }
0x28: {  	s2 =	sld [smem:$0x3FA7]  }
0x29: {  	s4 =	sld [smem:$0x3FA9]  }
0x2a: {  	p0 =	seq.s32 s5, $0x0;
	s5 =	sld [smem:$0x3FAA]  }
0x2b: {  	s6 =	sld [smem:$0x3FAB]  }
0x2c: {  	s7 =	sld [smem:$0x3FAC]  }
0x2d: {  	s3 =	simm.s32 $0x108;
	s8 =	sld [smem:$0x3FAD]  }
0x2e: {  	s3 =	simm.s32 @!p0 $0x1082;
	s9 =	sld [smem:$0x3FAE]  }
0x2f: {  	lr =	sadd.s32 s0, s3;
	s0 =	sld [smem:$0x3FA5]  }
0x30: {  	s3 =	sld [smem:$0x3FA8]  }
0x31: {  	[smem:$0x3FB1] =	sst s10  }
0x32: {  	s10 =	sld [smem:$0x3FAF];
	_ =	sdelay $0x3  }
0x33: {  	p0 =	seq.s32 s10, $0x1;
	s10 =	sld [smem:$0x3FB1];
	_ =	sdelay $0x3  }
0x34: {  	[smem:$0x3FB1] =	sst s10  }
0x35: {  	s10 =	sld [smem:$0x3FB0];
	_ =	sdelay $0x3  }
0x36: {  	p1 =	seq.s32 s10, $0x1;
	s10 =	sld [smem:$0x3FB1];
	_ =	sdelay $0x3  }
0x37: {  	[smem:$0x3FB1] =	sst s10  }
0x38: {  	s10 =	sld [smem:$0x3FB2]  }
0x39: {  	_ = 	snop;
	(pc) =	sbr.ind lr, $3  }
0x3a: {  	_ = 	snop  }
0x3b: {  	_ = 	snop  }
0x3c: {  	p2 =	seq.s32 s10, $0x1;
	s10 =	sld [smem:$0x3FB1]  }
0x3d: {  	_ =	shalt  }
0x3e: {  	_ =	shalt  }
0x3f: {  	_ =	shalt  }
0x40: {  	_ =	shalt  }
0x41: {  	_ =	shalt  }
0x42: {  	_ =	shalt  }
0x43: {  	_ =	shalt  }
0x44: {  	_ =	shalt  }
0x45: {  	_ =	shalt  }
0x46: {  	_ =	shalt  }
0x47: {  	_ =	shalt  }
0x48: {  	_ =	shalt  }
0x49: {  	_ =	shalt  }
0x4a: {  	_ =	shalt  }
0x4b: {  	_ =	shalt  }
0x4c: {  	_ =	shalt  }
0x4d: {  	_ =	shalt  }
0x4e: {  	_ =	shalt  }
0x4f: {  	_ =	shalt  }
0x50: {  	_ =	shalt  }
0x51: {  	_ =	shalt  }
0x52: {  	_ =	shalt  }
0x53: {  	_ =	shalt  }
0x54: {  	_ =	shalt  }
0x55: {  	_ =	shalt  }
0x56: {  	_ =	shalt  }
0x57: {  	_ =	shalt  }
0x58: {  	_ =	shalt  }
0x59: {  	_ =	shalt  }
0x5a: {  	_ =	shalt  }
0x5b: {  	_ =	shalt  }
0x5c: {  	_ =	shalt  }
0x5d: {  	_ =	shalt  }
0x5e: {  	_ =	shalt  }
0x5f: {  	_ =	shalt  }
0x60: {  	_ =	shalt  }
0x61: {  	_ =	shalt  }
0x62: {  	_ =	shalt  }
0x63: {  	_ =	shalt  }
0x64: {  	_ =	shalt  }
0x65: {  	_ =	shalt  }
0x66: {  	_ =	shalt  }
0x67: {  	_ =	shalt  }
0x68: {  	_ =	shalt  }
0x69: {  	_ =	shalt  }
0x6a: {  	_ =	shalt  }
0x6b: {  	_ =	shalt  }
0x6c: {  	_ =	shalt  }
0x6d: {  	_ =	shalt  }
0x6e: {  	_ =	shalt  }
0x6f: {  	_ =	shalt  }
0x70: {  	_ =	shalt  }
0x71: {  	_ =	shalt  }
0x72: {  	_ =	shalt  }
0x73: {  	_ =	shalt  }
0x74: {  	_ =	shalt  }
0x75: {  	_ =	shalt  }
0x76: {  	_ =	shalt  }
0x77: {  	_ =	shalt  }
0x78: {  	_ =	shalt  }
0x79: {  	_ =	shalt  }
0x7a: {  	_ =	shalt  }
0x7b: {  	_ =	shalt  }
0x7c: {  	_ =	shalt  }
0x7d: {  	_ =	shalt  }
0x7e: {  	_ =	shalt  }
0x7f: {  	_ =	shalt  }
0x80: {  	_ =	shalt  }
0x81: {  	_ =	shalt  }
0x82: {  	_ =	shalt  }
0x83: {  	_ =	shalt  }
0x84: {  	_ =	shalt  }
0x85: {  	_ =	shalt  }
0x86: {  	_ =	shalt  }
0x87: {  	_ =	shalt  }
.Lfunc_end0:
.L_simem_size_0:
called_computation_lowered:
.L_overlay_start_0:
0x88: {  	s2 =	sld [smem:$0x3FD9]  }
0x89: {  	s3 =	sld [smem:$0x3FFE];
	_ =	sdelay $0x1  }
0x8a: {  	s1 =	srdreg.scid  }
0x8b: {  	s0 =	sand.u32 $0x1, s1  }
0x8c: {  	s17 =	sshll.u32 s0, $0xA;
	s2 =	sadd.s32 s3, s2  }
0x8d: {  	s2 =	sadd.s32 s2, s17  }
0x8e: {  	[smem:$0x3FBD] =	sst s2  }
0x8f: {  	_ = 	snop  }
0x90: {  	s2 =	sld [smem:$0x3FD0];
	(tm) =	ssettm $0x1  }
0x91: {  	s18 =	sld [smem:$0x3FFB];
	_ =	sdelay $0x3  }
0x92: {  	_ =	strace s18  }
0x93: {  	s3 =	sld [smem:$0x3FFC];
	_ =	sdelay $0x3  }
0x94: {  	_ =	strace s3  }
0x95: {  	s3 =	sld [smem:$0x3FFD];
	_ =	sdelay $0x3  }
0x96: {  	_ =	strace s3  }
0x97: {  	_ =	strace $0x8FFFFFFF  }
0x98: {  	s19 =	sld [smem:$0x3FDB];
	_ =	sdelay $0x1  }
0x99: {  	s4 =	simm.s32 $_scs_section_size  }
0x9a: {  	s5 =	simm.s32 $_size__tile_overlayer_lowered;
	s6 =	simm.s32 $_tile_overlayer_lowered  }
0x9b: {  	s22 =	simm.s32 $0x1BFF;
	s21 =	sshll.u32 s6, $0x1;
	s3 =	sadd.s32 s4, s19  }
0x9c: {  	s7 =	simm.s32 $0x0;
	s20 =	sshll.u32 s5, $0x1;
	s5 =	sadd.s32 s21, s3  }
0x9d: {  	[timem:s7], [sflag:s22] =	dma.local [hbm:s5], s20  }
0x9e: {  	_ =	swait.ge [sflag:s22], s20  }
0x9f: {  	s4 =	ssub.s32 $0x0, s20;
	[sflag:s22] =	ssyncset.done $0x0  }
0xa0: {  	[sflag:s22] =	ssyncadd.s32 s4;
	_ =	sdelay $0x1  }
0xa1: {  	s23 =	simm.s32 $0x1B8B  }
0xa2: {  	_ =	swait.ge [sflag:s23], $0x1  }
0xa3: {  	[sflag:s23] =	ssyncset.done $0x0  }
0xa4: {  	s25 =	simm.s32 $0x1B8E;
	s24 =	sld [smem:$0x3FFE];
	[sflag:s23] =	ssyncadd.s32 $0xFFFFFFFF  }
0xa5: {  	s26 =	simm.s32 $execute0_lowered;
	[smem:$0x3FD2] =	sst s25  }
0xa6: {  	s5 =	sshll.u32 s26, $0x1;
	_ =	strace $0x80000046;
	[dreg:$0x1] =	wrdreg $0xFFFFFFFF  }
0xa7: {  	s28 =	simm.s32 $_size_execute0_lowered;
	s3 =	sadd.s32 s3, s5;
	[dreg:$0x0] =	wrdreg $0x0  }
0xa8: {  	s5 =	sshll.u32 s28, $0x1;
	[dreg:$0x2] =	wrdreg s3  }
0xa9: {  	[dreg:$0x3] =	wrdreg s5  }
0xaa: {  	[dreg:$0x4] =	wrdreg $0xC0  }
0xab: {  	_ =	task [dreg:s7], $0x5FFFF  }
0xac: {  	[dreg:$0x1] =	wrdreg $0xFFFFFFFF  }
0xad: {  	[dreg:$0x0] =	wrdreg $0x60  }
0xae: {  	[dreg:$0x2] =	wrdreg s24  }
0xaf: {  	[dreg:$0x3] =	wrdreg s2  }
0xb0: {  	[dreg:$0x4] =	wrdreg $0x40800  }
0xb1: {  	[dreg:$0x5] =	wrdreg $0x9  }
0xb2: {  	_ =	task.clear_ibuf [dreg:s7], $0x6FFFF;
	_ =	strace $0x90000046  }
0xb3: {  	s29 =	simm.s32 $0x9;
	_ =	strace $0x80000048  }
0xb4: {  	_ =	swait.ge [sflag:s29], $0x1  }
0xb5: {  	[sflag:s29] =	ssyncadd.s32 $0xFFFFFFFF  }
0xb6: {  	_ =	strace $0x90000048  }
0xb7: {  	_ =	sfence  }
0xb8: {  	s30 =	sld [smem:$0x0];
	_ =	sdelay $0x2  }
0xb9: {  	s31 =	sshll.u32 s1, $0xD;
	s1 =	sshrl.u32 s1, $0x2  }
0xba: {  	s3 =	sand.u32 $0x4000, s31;
	s1 =	sadd.s32 s1, s30  }
0xbb: {  	s0 =	sor.u32 s3, s0;
	s1 =	sshll.u32 s1, $0x11  }
0xbc: {  	s0 =	sor.u32 s1, s0  }
0xbd: {  	s0 =	sadd.s32 $0x8F2B, s0  }
0xbe: {  	[sflag:s0] =	ssyncadd.remote.s32 $0x1  }
0xbf: {  	_ =	sfence.sel $0xFFFF  }
0xc0: {  	[dreg:$0x0] =	wrdreg $0xFFFFFFFF;
	(pc) =	sbr.abs _section_cstart, $3  }
0xc1: {  	[dreg:$0x1] =	wrdreg $0xFFFFFFFF  }
0xc2: {  	_ =	task.clear_ibuf [dreg:s7], $0x2FFFF;
	_ =	strace $0x9FFFFFFF  }
0xc3: {  	(tm) =	ssettm $0x7FFFFFFF  }
tec
execute0_lowered:
.L_overlay_start_1:
0x0: {  	(tag) =	ssettag $0x1  }
0x1: {  	s4 =	rddreg [dreg:$0x0]  }
0x2: {  	s5 =	rddreg [dreg:$0x1]  }
0x3: {  	s2 =	rddreg [dreg:$0x2];
	s1 =	stileid.u32  }
0x4: {  	s0 =	rddreg [dreg:$0x3];
	s7 =	smul.u32 $0x14000, s1  }
0x5: {  	s6 =	srdreg.scid;
	s3 =	simm.s32 $0x0;
	s11 =	smul.u32 $0x50000, s1  }
0x6: {  	s12 =	simm.s32 $0x0;
	s6 =	sand.u32 $0x1, s6;
	s29 =	smul.u32 $0x500, s1  }
0x7: {  	[smem:$0x7FF] =	sst s3;
	s30 =	sshll.u32 s1, $0x6;
	s8 =	smul.u32 $0x140000, s6  }
0x8: {  	_ =	strace $0x80000047;
	s9 =	smul.u32 $0x5000, s6;
	s6 =	ssub.s32 $0x2, s6  }
0x9: {  	s10 =	sshrl.u32 s6, $0x1;
	s26 =	sshrl.u32 s11, $0x2;
	s28 =	sshrl.u32 s7, $0x3  }
0xa: {  	s8 =	sadd.s32 s7, s8;
	s9 =	sadd.s32 s9, s4;
	s10 =	ssub.s32 s6, s10  }
0xb: {  	s11 =	sadd.s32 s26, s2;
	s8 =	sshrl.u32 s8, $0x3;
	s31 =	sadd.s32 s29, s9  }
0xc: {  	s7 =	smax.u32 s10, $0x1;
	s9 =	sshrl.u32 s11, $0x3;
	s10 =	simm.s32 $0x1  }
0xd: {  	s11 =	simm.s32 $0x80;
	s8 =	sadd.s32 s8, s4;
	s4 =	sadd.s32 s5, s28  }
0xe: {  	v0 =	vimm.f32 $1.000000000e+00;
	s5 =	sor.u32 $0x1C01, s30;
	s6 =	sadd.s32 $0x14E00, s8;
	s8 =	sadd.s32 $0xAE00, s31  }
.LBB2_1:
0xf: {  	s13 =	simm.s32 $0x200;
	s14 =	simm.s32 $0x0  }
.LBB2_2:
0x10: {  	p0 =	sne.s32 s13, $0xFE00;
	[tilespmem:s14+$0x80] =	vst v0;
	s14 =	smov.u32 s13;
	s13 =	sadd.s32 $0x200, s13  }
.Ltmp0:
0x11: {  	(pc) =	sbr.rel @p0 .LBB2_2-.Ltmp0, $2  }
0x12: {  	_ =	sdelay $0x2  }
0x13: {  	s14 =	sshra.s32 s14, $0x2  }
0x14: {  	[tilespmem:s14+$0x80] =	vst v0  }
0x15: {  	[spmem:s9], [sflag:s5] =	dma.local [hbm:s4], $0x2800  }
0x16: {  	_ =	swait.ge [sflag:s10], $0x2800  }
0x17: {  	[sflag:s10] =	ssyncset.done $0x0  }
0x18: {  	[sflag:s10] =	ssyncadd.s32 $0xFFFFD800  }
0x19: {  	s13 =	sadd.s32 $0x0, s8;
	[bflag:$0x0] =	sbarrier.arrive $0xFFFF  }
0x1a: {  	[tilespmem:s3], [sflag:$0x1] =	stream.linear.gather [hbm4b:s13+s3], $0x80, $0x38;
	[tilespmem:$0x6880] =	vst v63  }
0x1b: {  	_ =	swait.ge [sflag:s10], $0x80  }
0x1c: {  	[sflag:s10] =	ssyncset.done $0x0  }
0x1d: {  	[sflag:s10] =	ssyncadd.s32 $0xFFFFFF80  }
0x1e: {  	[spmem:s2] =	stream.indirect.scatter.add.f32 [tilespmem:s11], [sflag:$0x1], $0x10, s3, s11, $0xb8;
	[tilespmem:$0x6880] =	vst v63  }
0x1f: {  	_ =	swait.ge [sflag:s10], $0x800  }
0x20: {  	s14 =	simm.s32 $0x20;
	s13 =	simm.s32 $0x10;
	[sflag:s10] =	ssyncset.done $0x0  }
.LBB2_4:
0x21: {  	s15 =	sadd.s32 s13, s8  }
0x22: {  	[sflag:s10] =	ssyncadd.s32 $0xFFFFF800;
	s13 =	smov.u32 s14;
	s16 =	sadd.s32 $0x10, s14  }
0x23: {  	[tilespmem:s3], [sflag:$0x1] =	stream.linear.gather [hbm4b:s15+s3], $0x80, $0x38;
	[tilespmem:$0x6880] =	vst v63  }
0x24: {  	p0 =	sne.s32 s14, $0x4F0;
	_ =	swait.ge [sflag:s10], $0x80  }
.Ltmp1:
0x25: {  	[sflag:s10] =	ssyncset.done $0x0;
	(pc) =	sbr.rel @p0 .LBB2_4-.Ltmp1, $4  }
0x26: {  	[sflag:s10] =	ssyncadd.s32 $0xFFFFFF80  }
0x27: {  	[spmem:s2] =	stream.indirect.scatter.add.f32 [tilespmem:s11], [sflag:$0x1], $0x10, s3, s11, $0xb8;
	[tilespmem:$0x6880] =	vst v63  }
0x28: {  	_ =	swait.ge [sflag:s10], $0x800  }
0x29: {  	s14 =	smov.u32 s16;
	[sflag:s10] =	ssyncset.done $0x0  }
0x2a: {  	s13 =	sadd.s32 s13, s8;
	[sflag:s10] =	ssyncadd.s32 $0xFFFFF800  }
0x2b: {  	[tilespmem:s3], [sflag:$0x1] =	stream.linear.gather [hbm4b:s13+s3], $0x80, $0x38;
	[tilespmem:$0x6880] =	vst v63  }
0x2c: {  	_ =	swait.ge [sflag:s10], $0x80  }
0x2d: {  	[sflag:s10] =	ssyncset.done $0x0  }
0x2e: {  	[sflag:s10] =	ssyncadd.s32 $0xFFFFFF80  }
0x2f: {  	[spmem:s2] =	stream.indirect.scatter.add.f32 [tilespmem:s11], [sflag:$0x1], $0x10, s3, s11, $0xb8;
	[tilespmem:$0x6880] =	vst v63  }
0x30: {  	_ =	swait.ge [sflag:s10], $0x800  }
0x31: {  	s12 =	sadd.s32 $0x1, s12;
	[sflag:s10] =	ssyncset.done $0x0  }
0x32: {  	p0 =	sne.s32 s12, s7;
	[sflag:s10] =	ssyncadd.s32 $0xFFFFF800  }
.Ltmp2:
0x33: {  	[bflag:$0x0] =	sbarrier.arrive $0xFFFF;
	(pc) =	sbr.rel @p0 .LBB2_1-.Ltmp2, $4  }
0x34: {  	[hbm:s6], [sflag:s5] =	dma.local [spmem:s9], $0x2800  }
0x35: {  	_ =	swait.ge [sflag:s10], $0x2800  }
0x36: {  	[sflag:s10] =	ssyncset.done $0x0  }
0x37: {  	[sflag:s10] =	ssyncadd.s32 $0xFFFFD800  }
0x38: {  	_ =	sfence.sel $0x180000  }
0x39: {  	[bflag:$0x0] =	sbarrier.arrive $0xFFFF  }
0x3a: {  	p0 =	sne.s32 s1, $0x0;
	_ =	strace $0x90000047  }
0x3b: {  	s0 =	sadd.s32 @!p0 $0x100000, s0;
	[bflag:$0x2] =	sbarrier.arrive $0xFFFF  }
0x3c: {  	[sflag:s0] =	ssyncadd.tile.s32 @!p0 $0x1;
	_ =	shalt  }
.Lfunc_end2:
_tile_overlayer_lowered:
.L_overlay_start_2:
0x3d: {  	(tag) =	ssettag $0x2  }
0x3e: {  	s0 =	rddreg [dreg:$0x0];
	s2 =	stileid.u32  }
0x3f: {  	s1 =	rddreg [dreg:$0x1];
	p0 =	sne.s32 s2, $0x0  }
0x40: {  	s3 =	rddreg [dreg:$0x2];
	[bflag:$0x3] =	sbarrier.arrive $0xFFFF;
	s2 =	simm.s32 @!p0 $0x1C01  }
0x41: {  	[timem:s3], [sflag:s2] =	dma.local @!p0 [hbm:s0], s1  }
0x42: {  	s0 =	simm.s32 @!p0 $0x1  }
0x43: {  	_ =	swait.ge @!p0 [sflag:s0], s1  }
0x44: {  	s1 =	ssub.s32 @!p0 $0x0, s1;
	[sflag:s0] =	ssyncset.done @!p0 $0x0  }
0x45: {  	[sflag:s0] =	ssyncadd.s32 @!p0 s1  }
0x46: {  	[bflag:$0x3] =	sbarrier.arrive $0xFFFF  }
0x47: {  	_ =	shalt  }

</sc_bundles>
